<compile_context>
chip_gen: v7x
topology: tpu7x:2x2x1
jax: 0.10.2.dev20260603
libtpu: 0.0.44.dev20260713+nightly
codegen_flags: <defaults>
</compile_context>

<pallas_src>
import functools

import jax
import jax.numpy as jnp
from jax import lax
from jax.experimental import pallas as pl
from jax.experimental.pallas import tpu as pltpu
from jax.experimental.pallas import tpu_sc as plsc

N_NODES = 10000
DIM = 128
N_EDGES = 320000

NPAD = 10240
NC, NS = 2, 16
CHUNK = 128
CH_PER_TILE = 80
E_PAD = NC * NS * CH_PER_TILE * CHUNK
MCHUNK = 64
MCH_PER_TILE = E_PAD // (NC * NS * MCHUNK)
ROWS_PER_TILE = NPAD // NS
MSG_PHASES = 4
PH0_LIST = (80, 80, 80, 64)
PH1_LIST = (8, 8, 0, 0)
CH_C0 = sum(PH0_LIST)
CH_C1 = sum(PH1_LIST)
PH0_PREF = (0, 80, 160, 240)
PH1_PREF = (0, 8, 16, 16)
PH_MAX = max(max(PH0_LIST), max(PH1_LIST))
IDX_SAFETY = PH_MAX
assert NS * (CH_C0 + CH_C1) == E_PAD // MCHUNK
RBLK = 1024

_mesh = plsc.VectorSubcoreMesh(core_axis_name="c", subcore_axis_name="s")


NW = NC * NS
EDGES_PER_TILE = E_PAD // NW
DVECS = EDGES_PER_TILE // 16
DUNROLL = 4


@functools.partial(
    pl.kernel,
    mesh=_mesh,
    out_type=jax.ShapeDtypeStruct((NW * NPAD,), jnp.float32),
    scratch_types=[
        pltpu.VMEM((EDGES_PER_TILE,), jnp.int32),
        pltpu.VMEM((NPAD,), jnp.float32),
    ],
    compiler_params=pltpu.CompilerParams(needs_layout_passes=False),
)
def _deg_kernel(dst_hbm, zeros_hbm, out_hbm, dst_v, deg_l):
    c = lax.axis_index("c")
    s = lax.axis_index("s")
    w = c * NS + s
    pltpu.sync_copy(dst_hbm.at[pl.ds(w * EDGES_PER_TILE, EDGES_PER_TILE)], dst_v)
    pltpu.sync_copy(zeros_hbm, deg_l)

    def body(i, carry):
        for u in range(DUNROLL):
            v = dst_v[pl.ds((i * DUNROLL + u) * 16, 16)]
            counts, lastm = plsc.scan_count(v)
            plsc.addupdate_scatter(
                deg_l, [v], counts.astype(jnp.float32), mask=lastm)
        return carry

    lax.fori_loop(0, DVECS // DUNROLL, body, 0)
    pltpu.sync_copy(deg_l, out_hbm.at[pl.ds(w * NPAD, NPAD)])


@functools.partial(
    pl.kernel,
    mesh=_mesh,
    out_type=jax.ShapeDtypeStruct((NC, NPAD, DIM), jnp.float32),
    scratch_types=[
        pltpu.VMEM((PH_MAX, MCHUNK), jnp.int32),
        pltpu.VMEM((PH_MAX, MCHUNK), jnp.int32),
        pltpu.VMEM((MCHUNK, DIM), jnp.float32),
        pltpu.VMEM((MCHUNK, DIM), jnp.float32),
        pltpu.VMEM_SHARED((NPAD, DIM), jnp.float32),
        pltpu.SemaphoreType.DMA,
        pltpu.SemaphoreType.DMA,
    ],
)
def _scatter_kernel(g_hbm, src_hbm, dst_hbm, zeros_hbm, out_hbm,
                    src_v, dst_v, buf_a, buf_b, acc_sh, sem_a, sem_b):
    c = lax.axis_index("c")
    s = lax.axis_index("s")
    pltpu.sync_copy(zeros_hbm, acc_sh.at[pl.ds(s * ROWS_PER_TILE, ROWS_PER_TILE)])
    plsc.subcore_barrier()

    for ph in range(MSG_PHASES):
        ph_c = jnp.where(c == 0, PH0_LIST[ph], PH1_LIST[ph])

        def body(it, carry, ph_c=ph_c):
            j = 2 * it
            pltpu.make_async_copy(g_hbm.at[src_v.at[j]], buf_a, sem_a).wait()
            pltpu.make_async_copy(g_hbm.at[src_v.at[j + 1]], buf_b, sem_b).start()
            pltpu.sync_copy(buf_a, acc_sh.at[dst_v.at[j]], add=True)
            pltpu.make_async_copy(g_hbm.at[src_v.at[j + 1]], buf_b, sem_b).wait()

            @pl.when(j + 2 < ph_c)
            def _():
                pltpu.make_async_copy(g_hbm.at[src_v.at[j + 2]], buf_a, sem_a).start()

            pltpu.sync_copy(buf_b, acc_sh.at[dst_v.at[j + 1]], add=True)
            return carry

        @pl.when(ph_c > 0)
        def _(ph=ph, body=body, ph_c=ph_c):
            base = jnp.where(
                c == 0,
                s * CH_C0 + PH0_PREF[ph],
                NS * CH_C0 + s * CH_C1 + PH1_PREF[ph],
            )
            pltpu.sync_copy(src_hbm.at[pl.ds(base, PH_MAX)], src_v)
            pltpu.sync_copy(dst_hbm.at[pl.ds(base, PH_MAX)], dst_v)
            pltpu.make_async_copy(g_hbm.at[src_v.at[0]], buf_a, sem_a).start()
            lax.fori_loop(0, ph_c // 2, body, 0)
    plsc.subcore_barrier()
    pltpu.sync_copy(
        acc_sh.at[pl.ds(s * ROWS_PER_TILE, ROWS_PER_TILE)],
        out_hbm.at[c, pl.ds(s * ROWS_PER_TILE, ROWS_PER_TILE)],
    )


def _mm_body(deg_ref, x_ref, w_ref, g_ref):
    d = jnp.sum(deg_ref[...], axis=1, keepdims=True) + 1.0
    dinv = lax.rsqrt(d)
    g_ref[...] = jnp.dot(x_ref[...], w_ref[...],
                         preferred_element_type=jnp.float32) * dinv


def _comb_body(acc_ref, g_ref, deg_ref, b_ref, o_ref):
    d = jnp.sum(deg_ref[...], axis=1, keepdims=True) + 1.0
    dinv = lax.rsqrt(d)
    acc = acc_ref[...]
    o_ref[...] = (acc[0] + acc[1] + g_ref[...]) * dinv + b_ref[...]


def kernel(x, edge_index, W, b):
    src = edge_index[0].astype(jnp.int32)
    dst = edge_index[1].astype(jnp.int32)
    n_idx = E_PAD + IDX_SAFETY * MCHUNK
    pad = jnp.full((n_idx - N_EDGES,), N_NODES, jnp.int32)
    src_flat = jnp.concatenate([src, pad])
    dst_flat = jnp.concatenate([dst, pad])
    srcp = src_flat.reshape(n_idx // MCHUNK, MCHUNK)
    dstp_m = dst_flat.reshape(n_idx // MCHUNK, MCHUNK)
    x_pad = jnp.zeros((NPAD, DIM), jnp.float32).at[:N_NODES].set(x)

    zeros_acc = jnp.zeros((ROWS_PER_TILE, DIM), jnp.float32)
    zeros_deg = jnp.zeros((NPAD,), jnp.float32)

    degp = _deg_kernel(dst_flat, zeros_deg)
    deg_t = degp.reshape(NW, NPAD).T

    ngrid = NPAD // RBLK
    g = pl.pallas_call(
        _mm_body,
        grid=(ngrid,),
        in_specs=[
            pl.BlockSpec((RBLK, NW), lambda i: (i, 0)),
            pl.BlockSpec((RBLK, DIM), lambda i: (i, 0)),
            pl.BlockSpec((DIM, DIM), lambda i: (0, 0)),
        ],
        out_specs=pl.BlockSpec((RBLK, DIM), lambda i: (i, 0)),
        out_shape=jax.ShapeDtypeStruct((NPAD, DIM), jnp.float32),
    )(deg_t, x_pad, W)

    accp = _scatter_kernel(g, srcp, dstp_m, zeros_acc)

    outp = pl.pallas_call(
        _comb_body,
        grid=(ngrid,),
        in_specs=[
            pl.BlockSpec((NC, RBLK, DIM), lambda i: (0, i, 0)),
            pl.BlockSpec((RBLK, DIM), lambda i: (i, 0)),
            pl.BlockSpec((RBLK, NW), lambda i: (i, 0)),
            pl.BlockSpec((1, DIM), lambda i: (0, 0)),
        ],
        out_specs=pl.BlockSpec((RBLK, DIM), lambda i: (i, 0)),
        out_shape=jax.ShapeDtypeStruct((NPAD, DIM), jnp.float32),
    )(accp, g, deg_t, b.reshape(1, DIM))

    return outp[:N_NODES]

# --- scband reference (transcript-rebuilt; emitter-appended) ---
"""Pipeline reference for scband-gcnlayer-37220186587487 (READ-ONLY COPY).

The authoritative reference and input builder live on the scoring server;
editing this copy changes nothing except your own understanding.
"""

import jax, jax.numpy as jnp
import numpy as np

N_NODES = 10000
N_EDGES = 320000
DIM = 128

def setup_inputs(seed: int = 0) -> dict:
    key = jax.random.key(seed)
    k1, k2, k3, k4 = jax.random.split(key, 4)
    x = jax.random.normal(k1, (N_NODES, DIM), dtype=jnp.float32)
    edge_index = jax.random.randint(k2, (2, N_EDGES), 0, N_NODES, dtype=jnp.int64)
    # GCNConv parameters: weight [in, out] (glorot), bias [out] (zeros init, use small randn for generality)
    limit = float(np.sqrt(6.0 / (DIM + DIM)))
    W = jax.random.uniform(k3, (DIM, DIM), dtype=jnp.float32, minval=-limit, maxval=limit)
    b = jax.random.normal(k4, (DIM,), dtype=jnp.float32) * 0.01
    return {"x": x, "edge_index": edge_index, "W": W, "b": b}

def reference(x, edge_index, W, b):
    # Faithful PyG GCNConv: add self-loops, symmetric normalization, linear, scatter-add aggregate, bias.
    N = x.shape[0]
    src = edge_index[0]
    dst = edge_index[1]
    loop = jnp.arange(N, dtype=edge_index.dtype)
    src = jnp.concatenate([src, loop], axis=0)
    dst = jnp.concatenate([dst, loop], axis=0)
    # linear transform
    h = x @ W
    # degree computed on target (col) nodes, edge_weight = 1
    deg = jnp.zeros((N,), dtype=h.dtype).at[dst].add(1.0)
    deg_inv_sqrt = jnp.where(deg > 0, jax.lax.rsqrt(jnp.maximum(deg, 1e-12)), 0.0)
    norm = deg_inv_sqrt[src] * deg_inv_sqrt[dst]
    # message = norm * h[src]; aggregate (sum) at dst
    msg = h[src] * norm[:, None]
    out = jnp.zeros((N, h.shape[1]), dtype=h.dtype).at[dst].add(msg)
    out = out + b
    return out

if __name__ == "__main__":
    import jax
    _d = setup_inputs()
    print(jax.jit(kernel)(*tuple(_d.values())))

</pallas_src>

<mosaic_0001>
#map = affine_map<(d0, d1) -> (0)>
module attributes {stable_mosaic.version = 14 : i64} {
  func.func @_deg_kernel(%arg0: i32, %arg1: i32, %arg2: memref<332800xi32, #tpu.memory_space<hbm>>, %arg3: memref<10240xf32, #tpu.memory_space<hbm>>, %arg4: memref<327680xf32, #tpu.memory_space<hbm>>, %arg5: memref<10240xi32, #tpu.memory_space<vmem>>, %arg6: memref<10240xf32, #tpu.memory_space<vmem>>) attributes {dimension_semantics = [#tpu.dimension_semantics<core_parallel>, #tpu.dimension_semantics<subcore_parallel>], iteration_bounds = array<i64: 2, 16>, scalar_prefetch = 0 : i64, scratch_operands = 2 : i64, tpu.core_type = #tpu.core_type<sc_vector_subcore>, window_params = [{transform_indices = #map}, {transform_indices = #map}, {transform_indices = #map}]} {
    %mul3A = arith.constant 16 : i32
    %mul3A_0 = arith.muli %arg0, %mul3A : i32
    %add3A = arith.addi %mul3A_0, %arg1 : i32
    %mul3A_1 = arith.constant 10240 : i32
    %mul3A_2 = arith.muli %add3A, %mul3A_1 : i32
    "tpu.region"() ({
      %run_scoped3A = tpu.sem_alloc : memref<!tpu.dma_semaphore, #tpu.memory_space<semaphore_mem>>
      %dma_start3A = tpu.memref_slice %arg2[%mul3A_2] : memref<332800xi32, #tpu.memory_space<hbm>> -> memref<10240xi32, #tpu.memory_space<hbm>>
      %dma_start3A_10 = tpu.memref_slice %arg2[%mul3A_2] : memref<332800xi32, #tpu.memory_space<hbm>> -> memref<10240xi32, #tpu.memory_space<hbm>>
      tpu.enqueue_dma source(%dma_start3A_10 : memref<10240xi32, #tpu.memory_space<hbm>>) target(%arg5 : memref<10240xi32, #tpu.memory_space<vmem>>) target_semaphore(%run_scoped3A : memref<!tpu.dma_semaphore, #tpu.memory_space<semaphore_mem>>)
      %dma_wait3A = tpu.memref_slice %arg2[%mul3A_2] : memref<332800xi32, #tpu.memory_space<hbm>> -> memref<10240xi32, #tpu.memory_space<hbm>>
      %dma_wait3A_11 = tpu.memref_slice %arg2[%mul3A_2] : memref<332800xi32, #tpu.memory_space<hbm>> -> memref<10240xi32, #tpu.memory_space<hbm>>
      tpu.wait_dma2 semaphore(%run_scoped3A : memref<!tpu.dma_semaphore, #tpu.memory_space<semaphore_mem>>) src(%dma_wait3A_11 : memref<10240xi32, #tpu.memory_space<hbm>>) dst(%arg5 : memref<10240xi32, #tpu.memory_space<vmem>>)
      tpu.yield
    }) : () -> ()
    "tpu.region"() ({
      %run_scoped3A = tpu.sem_alloc : memref<!tpu.dma_semaphore, #tpu.memory_space<semaphore_mem>>
      tpu.enqueue_dma source(%arg3 : memref<10240xf32, #tpu.memory_space<hbm>>) target(%arg6 : memref<10240xf32, #tpu.memory_space<vmem>>) target_semaphore(%run_scoped3A : memref<!tpu.dma_semaphore, #tpu.memory_space<semaphore_mem>>)
      tpu.wait_dma2 semaphore(%run_scoped3A : memref<!tpu.dma_semaphore, #tpu.memory_space<semaphore_mem>>) src(%arg3 : memref<10240xf32, #tpu.memory_space<hbm>>) dst(%arg6 : memref<10240xf32, #tpu.memory_space<vmem>>)
      tpu.yield
    }) : () -> ()
    %scan3A = arith.constant 0 : i32
    %scan3A_3 = arith.constant 0 : i32
    %scan3A_4 = arith.constant 160 : i32
    %scan3A_5 = arith.addi %scan3A_3, %scan3A_4 : i32
    %scan3A_6 = arith.constant 1 : i32
    scf.for %scan3A_10 = %scan3A_3 to %scan3A_5 step %scan3A_6  : i32 {
      %mul3A_11 = arith.constant 4 : i32
      %mul3A_12 = arith.muli %scan3A_10, %mul3A_11 : i32
      %add3A_13 = arith.constant 0 : i32
      %add3A_14 = arith.addi %mul3A_12, %add3A_13 : i32
      %mul3A_15 = arith.constant 16 : i32
      %mul3A_16 = arith.muli %add3A_14, %mul3A_15 : i32
      %get3A = arith.index_cast %mul3A_16 : i32 to index
      %get3A_17 = tpu.vector_load %arg5[%get3A] {strides = array<i32>} : memref<10240xi32, #tpu.memory_space<vmem>>, vector<16xi32>,
      %broadcast_in_dim3A = arith.constant true
      %broadcast_in_dim3A_18 = vector.broadcast %broadcast_in_dim3A : i1 to vector<16xi1>
      %unique3A, %unique3A_19 = tpu.scan_count mask(%broadcast_in_dim3A_18 : vector<16xi1>) value(%get3A_17 : vector<16xi32>) : vector<16xi1>, vector<16xi32>
      %convert_element_type3A = arith.sitofp %unique3A_19 : vector<16xi32> to vector<16xf32>
      tpu.vector_store_idx %arg6[%get3A_17], %convert_element_type3A masked %unique3A {add = true} : memref<10240xf32, #tpu.memory_space<vmem>>[vector<16xi32>], vector<16xf32>, vector<16xi1>
      %mul3A_20 = arith.constant 4 : i32
      %mul3A_21 = arith.muli %scan3A_10, %mul3A_20 : i32
      %add3A_22 = arith.constant 1 : i32
      %add3A_23 = arith.addi %mul3A_21, %add3A_22 : i32
      %mul3A_24 = arith.constant 16 : i32
      %mul3A_25 = arith.muli %add3A_23, %mul3A_24 : i32
      %get3A_26 = arith.index_cast %mul3A_25 : i32 to index
      %get3A_27 = tpu.vector_load %arg5[%get3A_26] {strides = array<i32>} : memref<10240xi32, #tpu.memory_space<vmem>>, vector<16xi32>,
      %broadcast_in_dim3A_28 = arith.constant true
      %broadcast_in_dim3A_29 = vector.broadcast %broadcast_in_dim3A_28 : i1 to vector<16xi1>
      %unique3A_30, %unique3A_31 = tpu.scan_count mask(%broadcast_in_dim3A_29 : vector<16xi1>) value(%get3A_27 : vector<16xi32>) : vector<16xi1>, vector<16xi32>
      %convert_element_type3A_32 = arith.sitofp %unique3A_31 : vector<16xi32> to vector<16xf32>
      tpu.vector_store_idx %arg6[%get3A_27], %convert_element_type3A_32 masked %unique3A_30 {add = true} : memref<10240xf32, #tpu.memory_space<vmem>>[vector<16xi32>], vector<16xf32>, vector<16xi1>
      %mul3A_33 = arith.constant 4 : i32
      %mul3A_34 = arith.muli %scan3A_10, %mul3A_33 : i32
      %add3A_35 = arith.constant 2 : i32
      %add3A_36 = arith.addi %mul3A_34, %add3A_35 : i32
      %mul3A_37 = arith.constant 16 : i32
      %mul3A_38 = arith.muli %add3A_36, %mul3A_37 : i32
      %get3A_39 = arith.index_cast %mul3A_38 : i32 to index
      %get3A_40 = tpu.vector_load %arg5[%get3A_39] {strides = array<i32>} : memref<10240xi32, #tpu.memory_space<vmem>>, vector<16xi32>,
      %broadcast_in_dim3A_41 = arith.constant true
      %broadcast_in_dim3A_42 = vector.broadcast %broadcast_in_dim3A_41 : i1 to vector<16xi1>
      %unique3A_43, %unique3A_44 = tpu.scan_count mask(%broadcast_in_dim3A_42 : vector<16xi1>) value(%get3A_40 : vector<16xi32>) : vector<16xi1>, vector<16xi32>
      %convert_element_type3A_45 = arith.sitofp %unique3A_44 : vector<16xi32> to vector<16xf32>
      tpu.vector_store_idx %arg6[%get3A_40], %convert_element_type3A_45 masked %unique3A_43 {add = true} : memref<10240xf32, #tpu.memory_space<vmem>>[vector<16xi32>], vector<16xf32>, vector<16xi1>
      %mul3A_46 = arith.constant 4 : i32
      %mul3A_47 = arith.muli %scan3A_10, %mul3A_46 : i32
      %add3A_48 = arith.constant 3 : i32
      %add3A_49 = arith.addi %mul3A_47, %add3A_48 : i32
      %mul3A_50 = arith.constant 16 : i32
      %mul3A_51 = arith.muli %add3A_49, %mul3A_50 : i32
      %get3A_52 = arith.index_cast %mul3A_51 : i32 to index
      %get3A_53 = tpu.vector_load %arg5[%get3A_52] {strides = array<i32>} : memref<10240xi32, #tpu.memory_space<vmem>>, vector<16xi32>,
      %broadcast_in_dim3A_54 = arith.constant true
      %broadcast_in_dim3A_55 = vector.broadcast %broadcast_in_dim3A_54 : i1 to vector<16xi1>
      %unique3A_56, %unique3A_57 = tpu.scan_count mask(%broadcast_in_dim3A_55 : vector<16xi1>) value(%get3A_53 : vector<16xi32>) : vector<16xi1>, vector<16xi32>
      %convert_element_type3A_58 = arith.sitofp %unique3A_57 : vector<16xi32> to vector<16xf32>
      tpu.vector_store_idx %arg6[%get3A_53], %convert_element_type3A_58 masked %unique3A_56 {add = true} : memref<10240xf32, #tpu.memory_space<vmem>>[vector<16xi32>], vector<16xf32>, vector<16xi1>
    }
    %scan3A_7 = arith.constant 160 : i32
    %mul3A_8 = arith.constant 10240 : i32
    %mul3A_9 = arith.muli %add3A, %mul3A_8 : i32
    "tpu.region"() ({
      %run_scoped3A = tpu.sem_alloc : memref<!tpu.dma_semaphore, #tpu.memory_space<semaphore_mem>>
      %dma_start3A = tpu.memref_slice %arg4[%mul3A_9] : memref<327680xf32, #tpu.memory_space<hbm>> -> memref<10240xf32, #tpu.memory_space<hbm>>
      %dma_start3A_10 = tpu.memref_slice %arg4[%mul3A_9] : memref<327680xf32, #tpu.memory_space<hbm>> -> memref<10240xf32, #tpu.memory_space<hbm>>
      tpu.enqueue_dma source(%arg6 : memref<10240xf32, #tpu.memory_space<vmem>>) target(%dma_start3A_10 : memref<10240xf32, #tpu.memory_space<hbm>>) target_semaphore(%run_scoped3A : memref<!tpu.dma_semaphore, #tpu.memory_space<semaphore_mem>>)
      %dma_wait3A = tpu.memref_slice %arg4[%mul3A_9] : memref<327680xf32, #tpu.memory_space<hbm>> -> memref<10240xf32, #tpu.memory_space<hbm>>
      %dma_wait3A_11 = tpu.memref_slice %arg4[%mul3A_9] : memref<327680xf32, #tpu.memory_space<hbm>> -> memref<10240xf32, #tpu.memory_space<hbm>>
      tpu.wait_dma2 semaphore(%run_scoped3A : memref<!tpu.dma_semaphore, #tpu.memory_space<semaphore_mem>>) src(%arg6 : memref<10240xf32, #tpu.memory_space<vmem>>) dst(%dma_wait3A_11 : memref<10240xf32, #tpu.memory_space<hbm>>)
      tpu.yield
    }) : () -> ()
    return
  }
}

#map = affine_map<(d0, d1) -> (0, 0)>
#map1 = affine_map<(d0, d1) -> (0, 0, 0)>
module attributes {stable_mosaic.version = 14 : i64} {
  func.func @_scatter_kernel(%arg0: i32, %arg1: i32, %arg2: memref<10240x128xf32, #tpu.memory_space<hbm>>, %arg3: memref<5200x64xi32, #tpu.memory_space<hbm>>, %arg4: memref<5200x64xi32, #tpu.memory_space<hbm>>, %arg5: memref<640x128xf32, #tpu.memory_space<hbm>>, %arg6: memref<2x10240x128xf32, #tpu.memory_space<hbm>>, %arg7: memref<80x64xi32, #tpu.memory_space<vmem>>, %arg8: memref<80x64xi32, #tpu.memory_space<vmem>>, %arg9: memref<64x128xf32, #tpu.memory_space<vmem>>, %arg10: memref<64x128xf32, #tpu.memory_space<vmem>>, %arg11: memref<10240x128xf32, #tpu.memory_space<vmem_shared>>, %arg12: memref<!tpu.dma_semaphore, #tpu.memory_space<semaphore_mem>>, %arg13: memref<!tpu.dma_semaphore, #tpu.memory_space<semaphore_mem>>) attributes {dimension_semantics = [#tpu.dimension_semantics<core_parallel>, #tpu.dimension_semantics<subcore_parallel>], iteration_bounds = array<i64: 2, 16>, scalar_prefetch = 0 : i64, scratch_operands = 7 : i64, tpu.core_type = #tpu.core_type<sc_vector_subcore>, window_params = [{transform_indices = #map}, {transform_indices = #map}, {transform_indices = #map}, {transform_indices = #map}, {transform_indices = #map1}]} {
    %mul3A = arith.constant 640 : i32
    %mul3A_0 = arith.muli %arg1, %mul3A : i32
    "tpu.region"() ({
      %run_scoped3A = tpu.sem_alloc : memref<!tpu.dma_semaphore, #tpu.memory_space<semaphore_mem>>
      %dma_start3A = arith.constant 0 : i32
      %dma_start3A_40 = tpu.memref_slice %arg11[%mul3A_0, %dma_start3A] : memref<10240x128xf32, #tpu.memory_space<vmem_shared>> -> memref<640x128xf32, #tpu.memory_space<vmem_shared>>
      tpu.enqueue_dma source(%arg5 : memref<640x128xf32, #tpu.memory_space<hbm>>) target(%dma_start3A_40 : memref<640x128xf32, #tpu.memory_space<vmem_shared>>) target_semaphore(%run_scoped3A : memref<!tpu.dma_semaphore, #tpu.memory_space<semaphore_mem>>)
      %dma_wait3A = arith.constant 0 : i32
      %dma_wait3A_41 = tpu.memref_slice %arg11[%mul3A_0, %dma_wait3A] : memref<10240x128xf32, #tpu.memory_space<vmem_shared>> -> memref<640x128xf32, #tpu.memory_space<vmem_shared>>
      tpu.wait_dma2 semaphore(%run_scoped3A : memref<!tpu.dma_semaphore, #tpu.memory_space<semaphore_mem>>) src(%arg5 : memref<640x128xf32, #tpu.memory_space<hbm>>) dst(%dma_wait3A_41 : memref<640x128xf32, #tpu.memory_space<vmem_shared>>)
      tpu.yield
    }) : () -> ()
    %barrier3A = arith.constant 0 : index
    tpu.barrier barrier_id(%barrier3A)
    %eq3A = arith.constant 0 : i32
    %eq3A_1 = arith.cmpi eq, %arg0, %eq3A : i32
    %jit3A = arith.constant 80 : i32
    %jit3A_2 = arith.constant 8 : i32
    %select_n3A = arith.select %eq3A_1, %jit3A, %jit3A_2 : i32
    %gt3A = arith.constant 0 : i32
    %gt3A_3 = arith.cmpi sgt, %select_n3A, %gt3A : i32
    %convert_element_type3A = arith.extui %gt3A_3 : i1 to i32
    %cond3A = arith.constant 0 : i32
    %cond3A_4 = arith.cmpi ne, %convert_element_type3A, %cond3A : i32
    scf.if %cond3A_4 {
      %eq3A_40 = arith.constant 0 : i32
      %eq3A_41 = arith.cmpi eq, %arg0, %eq3A_40 : i32
      %mul3A_42 = arith.constant 304 : i32
      %mul3A_43 = arith.muli %arg1, %mul3A_42 : i32
      %add3A = arith.constant 0 : i32
      %add3A_44 = arith.addi %mul3A_43, %add3A : i32
      %mul3A_45 = arith.constant 16 : i32
      %mul3A_46 = arith.muli %arg1, %mul3A_45 : i32
      %add3A_47 = arith.constant 4864 : i32
      %add3A_48 = arith.addi %add3A_47, %mul3A_46 : i32
      %add3A_49 = arith.constant 0 : i32
      %add3A_50 = arith.addi %add3A_48, %add3A_49 : i32
      %select_n3A_51 = arith.select %eq3A_41, %add3A_44, %add3A_50 : i32
      "tpu.region"() ({
        %run_scoped3A = tpu.sem_alloc : memref<!tpu.dma_semaphore, #tpu.memory_space<semaphore_mem>>
        %dma_start3A_85 = arith.constant 0 : i32
        %dma_start3A_86 = tpu.memref_slice %arg3[%select_n3A_51, %dma_start3A_85] : memref<5200x64xi32, #tpu.memory_space<hbm>> -> memref<80x64xi32, #tpu.memory_space<hbm>>
        %dma_start3A_87 = arith.constant 0 : i32
        %dma_start3A_88 = tpu.memref_slice %arg3[%select_n3A_51, %dma_start3A_87] : memref<5200x64xi32, #tpu.memory_space<hbm>> -> memref<80x64xi32, #tpu.memory_space<hbm>>
        tpu.enqueue_dma source(%dma_start3A_88 : memref<80x64xi32, #tpu.memory_space<hbm>>) target(%arg7 : memref<80x64xi32, #tpu.memory_space<vmem>>) target_semaphore(%run_scoped3A : memref<!tpu.dma_semaphore, #tpu.memory_space<semaphore_mem>>)
        %dma_wait3A = arith.constant 0 : i32
        %dma_wait3A_89 = tpu.memref_slice %arg3[%select_n3A_51, %dma_wait3A] : memref<5200x64xi32, #tpu.memory_space<hbm>> -> memref<80x64xi32, #tpu.memory_space<hbm>>
        %dma_wait3A_90 = arith.constant 0 : i32
        %dma_wait3A_91 = tpu.memref_slice %arg3[%select_n3A_51, %dma_wait3A_90] : memref<5200x64xi32, #tpu.memory_space<hbm>> -> memref<80x64xi32, #tpu.memory_space<hbm>>
        tpu.wait_dma2 semaphore(%run_scoped3A : memref<!tpu.dma_semaphore, #tpu.memory_space<semaphore_mem>>) src(%dma_wait3A_91 : memref<80x64xi32, #tpu.memory_space<hbm>>) dst(%arg7 : memref<80x64xi32, #tpu.memory_space<vmem>>)
        tpu.yield
      }) : () -> ()
      "tpu.region"() ({
        %run_scoped3A = tpu.sem_alloc : memref<!tpu.dma_semaphore, #tpu.memory_space<semaphore_mem>>
        %dma_start3A_85 = arith.constant 0 : i32
        %dma_start3A_86 = tpu.memref_slice %arg4[%select_n3A_51, %dma_start3A_85] : memref<5200x64xi32, #tpu.memory_space<hbm>> -> memref<80x64xi32, #tpu.memory_space<hbm>>
        %dma_start3A_87 = arith.constant 0 : i32
        %dma_start3A_88 = tpu.memref_slice %arg4[%select_n3A_51, %dma_start3A_87] : memref<5200x64xi32, #tpu.memory_space<hbm>> -> memref<80x64xi32, #tpu.memory_space<hbm>>
        tpu.enqueue_dma source(%dma_start3A_88 : memref<80x64xi32, #tpu.memory_space<hbm>>) target(%arg8 : memref<80x64xi32, #tpu.memory_space<vmem>>) target_semaphore(%run_scoped3A : memref<!tpu.dma_semaphore, #tpu.memory_space<semaphore_mem>>)
        %dma_wait3A = arith.constant 0 : i32
        %dma_wait3A_89 = tpu.memref_slice %arg4[%select_n3A_51, %dma_wait3A] : memref<5200x64xi32, #tpu.memory_space<hbm>> -> memref<80x64xi32, #tpu.memory_space<hbm>>
        %dma_wait3A_90 = arith.constant 0 : i32
        %dma_wait3A_91 = tpu.memref_slice %arg4[%select_n3A_51, %dma_wait3A_90] : memref<5200x64xi32, #tpu.memory_space<hbm>> -> memref<80x64xi32, #tpu.memory_space<hbm>>
        tpu.wait_dma2 semaphore(%run_scoped3A : memref<!tpu.dma_semaphore, #tpu.memory_space<semaphore_mem>>) src(%dma_wait3A_91 : memref<80x64xi32, #tpu.memory_space<hbm>>) dst(%arg8 : memref<80x64xi32, #tpu.memory_space<vmem>>)
        tpu.yield
      }) : () -> ()
      %dma_start3A = arith.constant 0 : i32
      %dma_start3A_52 = arith.constant 0 : i32
      %dma_start3A_53 = tpu.memref_slice %arg7[%dma_start3A, %dma_start3A_52] : memref<80x64xi32, #tpu.memory_space<vmem>> -> memref<1x64xi32, #tpu.memory_space<vmem>>
      %dma_start3A_54 = tpu.memref_squeeze %dma_start3A_53 : memref<1x64xi32, #tpu.memory_space<vmem>> -> memref<64xi32, #tpu.memory_space<vmem>>
      %dma_start3A_55 = arith.constant 0 : i32
      %dma_start3A_56 = arith.constant 0 : i32
      %dma_start3A_57 = tpu.memref_slice %arg2[%dma_start3A_55, %dma_start3A_56] : memref<10240x128xf32, #tpu.memory_space<hbm>> -> memref<10240x128xf32, #tpu.memory_space<hbm>>
      tpu.enqueue_indirect_dma source(%dma_start3A_57 : memref<10240x128xf32, #tpu.memory_space<hbm>>) target(%arg9 : memref<64x128xf32, #tpu.memory_space<vmem>>) offsets(%dma_start3A_54 : memref<64xi32, #tpu.memory_space<vmem>>) semaphore(%arg12 : memref<!tpu.dma_semaphore, #tpu.memory_space<semaphore_mem>>)
      %jit3A_58 = arith.constant 2 : i32
      %div3A = arith.divsi %select_n3A, %jit3A_58 : i32
      %sign3A = arith.constant 0 : i32
      %sign3A_59 = arith.cmpi sgt, %select_n3A, %sign3A : i32
      %sign3A_60 = arith.extui %sign3A_59 : i1 to i32
      %sign3A_61 = arith.constant 0 : i32
      %sign3A_62 = arith.cmpi slt, %select_n3A, %sign3A_61 : i32
      %sign3A_63 = arith.extui %sign3A_62 : i1 to i32
      %sign3A_64 = arith.subi %sign3A_60, %sign3A_63 : i32
      %sign3A_65 = arith.constant 0 : i32
      %sign3A_66 = arith.cmpi sgt, %jit3A_58, %sign3A_65 : i32
      %sign3A_67 = arith.extui %sign3A_66 : i1 to i32
      %sign3A_68 = arith.constant 0 : i32
      %sign3A_69 = arith.cmpi slt, %jit3A_58, %sign3A_68 : i32
      %sign3A_70 = arith.extui %sign3A_69 : i1 to i32
      %sign3A_71 = arith.subi %sign3A_67, %sign3A_70 : i32
      %ne3A = arith.cmpi ne, %sign3A_64, %sign3A_71 : i32
      %rem3A = arith.remsi %select_n3A, %jit3A_58 : i32
      %ne3A_72 = arith.constant 0 : i32
      %ne3A_73 = arith.cmpi ne, %rem3A, %ne3A_72 : i32
      %and3A = arith.andi %ne3A, %ne3A_73 : i1
      %sub3A = arith.constant 1 : i32
      %sub3A_74 = arith.subi %div3A, %sub3A : i32
      %select_n3A_75 = arith.select %and3A, %sub3A_74, %div3A : i32
      %while3A = arith.constant 0 : i32
      %while3A_76 = arith.constant 0 : i32
      %while3A_77 = arith.subi %select_n3A_75, %while3A_76 : i32
      %while3A_78 = arith.addi %while3A_76, %while3A_77 : i32
      %while3A_79 = arith.constant 1 : i32
      %while3A_80 = arith.divsi %while3A_77, %while3A_79 : i32
      %while3A_81 = arith.muli %while3A_80, %while3A_79 : i32
      %while3A_82 = arith.addi %while3A_76, %while3A_81 : i32
      %while3A_83 = arith.constant 1 : i32
      scf.for %while3A_85 = %while3A_76 to %while3A_82 step %while3A_83  : i32 {
        %mul3A_86 = arith.constant 2 : i32
        %mul3A_87 = arith.muli %mul3A_86, %while3A_85 : i32
        %dma_wait3A = arith.constant 0 : i32
        %dma_wait3A_88 = tpu.memref_slice %arg7[%mul3A_87, %dma_wait3A] : memref<80x64xi32, #tpu.memory_space<vmem>> -> memref<1x64xi32, #tpu.memory_space<vmem>>
        %dma_wait3A_89 = tpu.memref_squeeze %dma_wait3A_88 : memref<1x64xi32, #tpu.memory_space<vmem>> -> memref<64xi32, #tpu.memory_space<vmem>>
        %dma_wait3A_90 = arith.constant 0 : i32
        %dma_wait3A_91 = arith.constant 0 : i32
        %dma_wait3A_92 = tpu.memref_slice %arg2[%dma_wait3A_90, %dma_wait3A_91] : memref<10240x128xf32, #tpu.memory_space<hbm>> -> memref<10240x128xf32, #tpu.memory_space<hbm>>
        tpu.wait_indirect_dma semaphore(%arg12 : memref<!tpu.dma_semaphore, #tpu.memory_space<semaphore_mem>>) src(%dma_wait3A_92 : memref<10240x128xf32, #tpu.memory_space<hbm>>) dst(%arg9 : memref<64x128xf32, #tpu.memory_space<vmem>>)
        %add3A_93 = arith.constant 1 : i32
        %add3A_94 = arith.addi %mul3A_87, %add3A_93 : i32
        %dma_start3A_95 = arith.constant 0 : i32
        %dma_start3A_96 = tpu.memref_slice %arg7[%add3A_94, %dma_start3A_95] : memref<80x64xi32, #tpu.memory_space<vmem>> -> memref<1x64xi32, #tpu.memory_space<vmem>>
        %dma_start3A_97 = tpu.memref_squeeze %dma_start3A_96 : memref<1x64xi32, #tpu.memory_space<vmem>> -> memref<64xi32, #tpu.memory_space<vmem>>
        %dma_start3A_98 = arith.constant 0 : i32
        %dma_start3A_99 = arith.constant 0 : i32
        %dma_start3A_100 = tpu.memref_slice %arg2[%dma_start3A_98, %dma_start3A_99] : memref<10240x128xf32, #tpu.memory_space<hbm>> -> memref<10240x128xf32, #tpu.memory_space<hbm>>
        tpu.enqueue_indirect_dma source(%dma_start3A_100 : memref<10240x128xf32, #tpu.memory_space<hbm>>) target(%arg10 : memref<64x128xf32, #tpu.memory_space<vmem>>) offsets(%dma_start3A_97 : memref<64xi32, #tpu.memory_space<vmem>>) semaphore(%arg13 : memref<!tpu.dma_semaphore, #tpu.memory_space<semaphore_mem>>)
        "tpu.region"() ({
          %run_scoped3A = tpu.sem_alloc : memref<!tpu.dma_semaphore, #tpu.memory_space<semaphore_mem>>
          %dma_start3A_116 = arith.constant 0 : i32
          %dma_start3A_117 = tpu.memref_slice %arg8[%mul3A_87, %dma_start3A_116] : memref<80x64xi32, #tpu.memory_space<vmem>> -> memref<1x64xi32, #tpu.memory_space<vmem>>
          %dma_start3A_118 = tpu.memref_squeeze %dma_start3A_117 : memref<1x64xi32, #tpu.memory_space<vmem>> -> memref<64xi32, #tpu.memory_space<vmem>>
          %dma_start3A_119 = arith.constant 0 : i32
          %dma_start3A_120 = arith.constant 0 : i32
          %dma_start3A_121 = tpu.memref_slice %arg11[%dma_start3A_119, %dma_start3A_120] : memref<10240x128xf32, #tpu.memory_space<vmem_shared>> -> memref<10240x128xf32, #tpu.memory_space<vmem_shared>>
          tpu.enqueue_indirect_dma source(%arg9 : memref<64x128xf32, #tpu.memory_space<vmem>>) target(%dma_start3A_121 : memref<10240x128xf32, #tpu.memory_space<vmem_shared>>) offsets(%dma_start3A_118 : memref<64xi32, #tpu.memory_space<vmem>>) semaphore(%run_scoped3A : memref<!tpu.dma_semaphore, #tpu.memory_space<semaphore_mem>>) {add = true}
          %dma_wait3A_122 = arith.constant 0 : i32
          %dma_wait3A_123 = tpu.memref_slice %arg8[%mul3A_87, %dma_wait3A_122] : memref<80x64xi32, #tpu.memory_space<vmem>> -> memref<1x64xi32, #tpu.memory_space<vmem>>
          %dma_wait3A_124 = tpu.memref_squeeze %dma_wait3A_123 : memref<1x64xi32, #tpu.memory_space<vmem>> -> memref<64xi32, #tpu.memory_space<vmem>>
          %dma_wait3A_125 = arith.constant 0 : i32
          %dma_wait3A_126 = arith.constant 0 : i32
          %dma_wait3A_127 = tpu.memref_slice %arg11[%dma_wait3A_125, %dma_wait3A_126] : memref<10240x128xf32, #tpu.memory_space<vmem_shared>> -> memref<10240x128xf32, #tpu.memory_space<vmem_shared>>
          tpu.wait_indirect_dma semaphore(%run_scoped3A : memref<!tpu.dma_semaphore, #tpu.memory_space<semaphore_mem>>) src(%arg9 : memref<64x128xf32, #tpu.memory_space<vmem>>) dst(%dma_wait3A_127 : memref<10240x128xf32, #tpu.memory_space<vmem_shared>>)
          tpu.yield
        }) : () -> ()
        %add3A_101 = arith.constant 1 : i32
        %add3A_102 = arith.addi %mul3A_87, %add3A_101 : i32
        %dma_wait3A_103 = arith.constant 0 : i32
        %dma_wait3A_104 = tpu.memref_slice %arg7[%add3A_102, %dma_wait3A_103] : memref<80x64xi32, #tpu.memory_space<vmem>> -> memref<1x64xi32, #tpu.memory_space<vmem>>
        %dma_wait3A_105 = tpu.memref_squeeze %dma_wait3A_104 : memref<1x64xi32, #tpu.memory_space<vmem>> -> memref<64xi32, #tpu.memory_space<vmem>>
        %dma_wait3A_106 = arith.constant 0 : i32
        %dma_wait3A_107 = arith.constant 0 : i32
        %dma_wait3A_108 = tpu.memref_slice %arg2[%dma_wait3A_106, %dma_wait3A_107] : memref<10240x128xf32, #tpu.memory_space<hbm>> -> memref<10240x128xf32, #tpu.memory_space<hbm>>
        tpu.wait_indirect_dma semaphore(%arg13 : memref<!tpu.dma_semaphore, #tpu.memory_space<semaphore_mem>>) src(%dma_wait3A_108 : memref<10240x128xf32, #tpu.memory_space<hbm>>) dst(%arg10 : memref<64x128xf32, #tpu.memory_space<vmem>>)
        %add3A_109 = arith.constant 2 : i32
        %add3A_110 = arith.addi %mul3A_87, %add3A_109 : i32
        %lt3A = arith.cmpi slt, %add3A_110, %select_n3A : i32
        %convert_element_type3A_111 = arith.extui %lt3A : i1 to i32
        %cond3A_112 = arith.constant 0 : i32
        %cond3A_113 = arith.cmpi ne, %convert_element_type3A_111, %cond3A_112 : i32
        scf.if %cond3A_113 {
          %add3A_116 = arith.constant 2 : i32
          %add3A_117 = arith.addi %mul3A_87, %add3A_116 : i32
          %dma_start3A_118 = arith.constant 0 : i32
          %dma_start3A_119 = tpu.memref_slice %arg7[%add3A_117, %dma_start3A_118] : memref<80x64xi32, #tpu.memory_space<vmem>> -> memref<1x64xi32, #tpu.memory_space<vmem>>
          %dma_start3A_120 = tpu.memref_squeeze %dma_start3A_119 : memref<1x64xi32, #tpu.memory_space<vmem>> -> memref<64xi32, #tpu.memory_space<vmem>>
          %dma_start3A_121 = arith.constant 0 : i32
          %dma_start3A_122 = arith.constant 0 : i32
          %dma_start3A_123 = tpu.memref_slice %arg2[%dma_start3A_121, %dma_start3A_122] : memref<10240x128xf32, #tpu.memory_space<hbm>> -> memref<10240x128xf32, #tpu.memory_space<hbm>>
          tpu.enqueue_indirect_dma source(%dma_start3A_123 : memref<10240x128xf32, #tpu.memory_space<hbm>>) target(%arg9 : memref<64x128xf32, #tpu.memory_space<vmem>>) offsets(%dma_start3A_120 : memref<64xi32, #tpu.memory_space<vmem>>) semaphore(%arg12 : memref<!tpu.dma_semaphore, #tpu.memory_space<semaphore_mem>>)
        } else {
        }
        %add3A_114 = arith.constant 1 : i32
        %add3A_115 = arith.addi %mul3A_87, %add3A_114 : i32
        "tpu.region"() ({
          %run_scoped3A = tpu.sem_alloc : memref<!tpu.dma_semaphore, #tpu.memory_space<semaphore_mem>>
          %dma_start3A_116 = arith.constant 0 : i32
          %dma_start3A_117 = tpu.memref_slice %arg8[%add3A_115, %dma_start3A_116] : memref<80x64xi32, #tpu.memory_space<vmem>> -> memref<1x64xi32, #tpu.memory_space<vmem>>
          %dma_start3A_118 = tpu.memref_squeeze %dma_start3A_117 : memref<1x64xi32, #tpu.memory_space<vmem>> -> memref<64xi32, #tpu.memory_space<vmem>>
          %dma_start3A_119 = arith.constant 0 : i32
          %dma_start3A_120 = arith.constant 0 : i32
          %dma_start3A_121 = tpu.memref_slice %arg11[%dma_start3A_119, %dma_start3A_120] : memref<10240x128xf32, #tpu.memory_space<vmem_shared>> -> memref<10240x128xf32, #tpu.memory_space<vmem_shared>>
          tpu.enqueue_indirect_dma source(%arg10 : memref<64x128xf32, #tpu.memory_space<vmem>>) target(%dma_start3A_121 : memref<10240x128xf32, #tpu.memory_space<vmem_shared>>) offsets(%dma_start3A_118 : memref<64xi32, #tpu.memory_space<vmem>>) semaphore(%run_scoped3A : memref<!tpu.dma_semaphore, #tpu.memory_space<semaphore_mem>>) {add = true}
          %dma_wait3A_122 = arith.constant 0 : i32
          %dma_wait3A_123 = tpu.memref_slice %arg8[%add3A_115, %dma_wait3A_122] : memref<80x64xi32, #tpu.memory_space<vmem>> -> memref<1x64xi32, #tpu.memory_space<vmem>>
          %dma_wait3A_124 = tpu.memref_squeeze %dma_wait3A_123 : memref<1x64xi32, #tpu.memory_space<vmem>> -> memref<64xi32, #tpu.memory_space<vmem>>
          %dma_wait3A_125 = arith.constant 0 : i32
          %dma_wait3A_126 = arith.constant 0 : i32
          %dma_wait3A_127 = tpu.memref_slice %arg11[%dma_wait3A_125, %dma_wait3A_126] : memref<10240x128xf32, #tpu.memory_space<vmem_shared>> -> memref<10240x128xf32, #tpu.memory_space<vmem_shared>>
          tpu.wait_indirect_dma semaphore(%run_scoped3A : memref<!tpu.dma_semaphore, #tpu.memory_space<semaphore_mem>>) src(%arg10 : memref<64x128xf32, #tpu.memory_space<vmem>>) dst(%dma_wait3A_127 : memref<10240x128xf32, #tpu.memory_space<vmem_shared>>)
          tpu.yield
        }) : () -> ()
      }
      %while3A_84 = arith.constant 1 : i32
      scf.for %while3A_85 = %while3A_82 to %while3A_78 step %while3A_84  : i32 {
        %mul3A_86 = arith.constant 2 : i32
        %mul3A_87 = arith.muli %mul3A_86, %while3A_85 : i32
        %dma_wait3A = arith.constant 0 : i32
        %dma_wait3A_88 = tpu.memref_slice %arg7[%mul3A_87, %dma_wait3A] : memref<80x64xi32, #tpu.memory_space<vmem>> -> memref<1x64xi32, #tpu.memory_space<vmem>>
        %dma_wait3A_89 = tpu.memref_squeeze %dma_wait3A_88 : memref<1x64xi32, #tpu.memory_space<vmem>> -> memref<64xi32, #tpu.memory_space<vmem>>
        %dma_wait3A_90 = arith.constant 0 : i32
        %dma_wait3A_91 = arith.constant 0 : i32
        %dma_wait3A_92 = tpu.memref_slice %arg2[%dma_wait3A_90, %dma_wait3A_91] : memref<10240x128xf32, #tpu.memory_space<hbm>> -> memref<10240x128xf32, #tpu.memory_space<hbm>>
        tpu.wait_indirect_dma semaphore(%arg12 : memref<!tpu.dma_semaphore, #tpu.memory_space<semaphore_mem>>) src(%dma_wait3A_92 : memref<10240x128xf32, #tpu.memory_space<hbm>>) dst(%arg9 : memref<64x128xf32, #tpu.memory_space<vmem>>)
        %add3A_93 = arith.constant 1 : i32
        %add3A_94 = arith.addi %mul3A_87, %add3A_93 : i32
        %dma_start3A_95 = arith.constant 0 : i32
        %dma_start3A_96 = tpu.memref_slice %arg7[%add3A_94, %dma_start3A_95] : memref<80x64xi32, #tpu.memory_space<vmem>> -> memref<1x64xi32, #tpu.memory_space<vmem>>
        %dma_start3A_97 = tpu.memref_squeeze %dma_start3A_96 : memref<1x64xi32, #tpu.memory_space<vmem>> -> memref<64xi32, #tpu.memory_space<vmem>>
        %dma_start3A_98 = arith.constant 0 : i32
        %dma_start3A_99 = arith.constant 0 : i32
        %dma_start3A_100 = tpu.memref_slice %arg2[%dma_start3A_98, %dma_start3A_99] : memref<10240x128xf32, #tpu.memory_space<hbm>> -> memref<10240x128xf32, #tpu.memory_space<hbm>>
        tpu.enqueue_indirect_dma source(%dma_start3A_100 : memref<10240x128xf32, #tpu.memory_space<hbm>>) target(%arg10 : memref<64x128xf32, #tpu.memory_space<vmem>>) offsets(%dma_start3A_97 : memref<64xi32, #tpu.memory_space<vmem>>) semaphore(%arg13 : memref<!tpu.dma_semaphore, #tpu.memory_space<semaphore_mem>>)
        "tpu.region"() ({
          %run_scoped3A = tpu.sem_alloc : memref<!tpu.dma_semaphore, #tpu.memory_space<semaphore_mem>>
          %dma_start3A_116 = arith.constant 0 : i32
          %dma_start3A_117 = tpu.memref_slice %arg8[%mul3A_87, %dma_start3A_116] : memref<80x64xi32, #tpu.memory_space<vmem>> -> memref<1x64xi32, #tpu.memory_space<vmem>>
          %dma_start3A_118 = tpu.memref_squeeze %dma_start3A_117 : memref<1x64xi32, #tpu.memory_space<vmem>> -> memref<64xi32, #tpu.memory_space<vmem>>
          %dma_start3A_119 = arith.constant 0 : i32
          %dma_start3A_120 = arith.constant 0 : i32
          %dma_start3A_121 = tpu.memref_slice %arg11[%dma_start3A_119, %dma_start3A_120] : memref<10240x128xf32, #tpu.memory_space<vmem_shared>> -> memref<10240x128xf32, #tpu.memory_space<vmem_shared>>
          tpu.enqueue_indirect_dma source(%arg9 : memref<64x128xf32, #tpu.memory_space<vmem>>) target(%dma_start3A_121 : memref<10240x128xf32, #tpu.memory_space<vmem_shared>>) offsets(%dma_start3A_118 : memref<64xi32, #tpu.memory_space<vmem>>) semaphore(%run_scoped3A : memref<!tpu.dma_semaphore, #tpu.memory_space<semaphore_mem>>) {add = true}
          %dma_wait3A_122 = arith.constant 0 : i32
          %dma_wait3A_123 = tpu.memref_slice %arg8[%mul3A_87, %dma_wait3A_122] : memref<80x64xi32, #tpu.memory_space<vmem>> -> memref<1x64xi32, #tpu.memory_space<vmem>>
          %dma_wait3A_124 = tpu.memref_squeeze %dma_wait3A_123 : memref<1x64xi32, #tpu.memory_space<vmem>> -> memref<64xi32, #tpu.memory_space<vmem>>
          %dma_wait3A_125 = arith.constant 0 : i32
          %dma_wait3A_126 = arith.constant 0 : i32
          %dma_wait3A_127 = tpu.memref_slice %arg11[%dma_wait3A_125, %dma_wait3A_126] : memref<10240x128xf32, #tpu.memory_space<vmem_shared>> -> memref<10240x128xf32, #tpu.memory_space<vmem_shared>>
          tpu.wait_indirect_dma semaphore(%run_scoped3A : memref<!tpu.dma_semaphore, #tpu.memory_space<semaphore_mem>>) src(%arg9 : memref<64x128xf32, #tpu.memory_space<vmem>>) dst(%dma_wait3A_127 : memref<10240x128xf32, #tpu.memory_space<vmem_shared>>)
          tpu.yield
        }) : () -> ()
        %add3A_101 = arith.constant 1 : i32
        %add3A_102 = arith.addi %mul3A_87, %add3A_101 : i32
        %dma_wait3A_103 = arith.constant 0 : i32
        %dma_wait3A_104 = tpu.memref_slice %arg7[%add3A_102, %dma_wait3A_103] : memref<80x64xi32, #tpu.memory_space<vmem>> -> memref<1x64xi32, #tpu.memory_space<vmem>>
        %dma_wait3A_105 = tpu.memref_squeeze %dma_wait3A_104 : memref<1x64xi32, #tpu.memory_space<vmem>> -> memref<64xi32, #tpu.memory_space<vmem>>
        %dma_wait3A_106 = arith.constant 0 : i32
        %dma_wait3A_107 = arith.constant 0 : i32
        %dma_wait3A_108 = tpu.memref_slice %arg2[%dma_wait3A_106, %dma_wait3A_107] : memref<10240x128xf32, #tpu.memory_space<hbm>> -> memref<10240x128xf32, #tpu.memory_space<hbm>>
        tpu.wait_indirect_dma semaphore(%arg13 : memref<!tpu.dma_semaphore, #tpu.memory_space<semaphore_mem>>) src(%dma_wait3A_108 : memref<10240x128xf32, #tpu.memory_space<hbm>>) dst(%arg10 : memref<64x128xf32, #tpu.memory_space<vmem>>)
        %add3A_109 = arith.constant 2 : i32
        %add3A_110 = arith.addi %mul3A_87, %add3A_109 : i32
        %lt3A = arith.cmpi slt, %add3A_110, %select_n3A : i32
        %convert_element_type3A_111 = arith.extui %lt3A : i1 to i32
        %cond3A_112 = arith.constant 0 : i32
        %cond3A_113 = arith.cmpi ne, %convert_element_type3A_111, %cond3A_112 : i32
        scf.if %cond3A_113 {
          %add3A_116 = arith.constant 2 : i32
          %add3A_117 = arith.addi %mul3A_87, %add3A_116 : i32
          %dma_start3A_118 = arith.constant 0 : i32
          %dma_start3A_119 = tpu.memref_slice %arg7[%add3A_117, %dma_start3A_118] : memref<80x64xi32, #tpu.memory_space<vmem>> -> memref<1x64xi32, #tpu.memory_space<vmem>>
          %dma_start3A_120 = tpu.memref_squeeze %dma_start3A_119 : memref<1x64xi32, #tpu.memory_space<vmem>> -> memref<64xi32, #tpu.memory_space<vmem>>
          %dma_start3A_121 = arith.constant 0 : i32
          %dma_start3A_122 = arith.constant 0 : i32
          %dma_start3A_123 = tpu.memref_slice %arg2[%dma_start3A_121, %dma_start3A_122] : memref<10240x128xf32, #tpu.memory_space<hbm>> -> memref<10240x128xf32, #tpu.memory_space<hbm>>
          tpu.enqueue_indirect_dma source(%dma_start3A_123 : memref<10240x128xf32, #tpu.memory_space<hbm>>) target(%arg9 : memref<64x128xf32, #tpu.memory_space<vmem>>) offsets(%dma_start3A_120 : memref<64xi32, #tpu.memory_space<vmem>>) semaphore(%arg12 : memref<!tpu.dma_semaphore, #tpu.memory_space<semaphore_mem>>)
        } else {
        }
        %add3A_114 = arith.constant 1 : i32
        %add3A_115 = arith.addi %mul3A_87, %add3A_114 : i32
        "tpu.region"() ({
          %run_scoped3A = tpu.sem_alloc : memref<!tpu.dma_semaphore, #tpu.memory_space<semaphore_mem>>
          %dma_start3A_116 = arith.constant 0 : i32
          %dma_start3A_117 = tpu.memref_slice %arg8[%add3A_115, %dma_start3A_116] : memref<80x64xi32, #tpu.memory_space<vmem>> -> memref<1x64xi32, #tpu.memory_space<vmem>>
          %dma_start3A_118 = tpu.memref_squeeze %dma_start3A_117 : memref<1x64xi32, #tpu.memory_space<vmem>> -> memref<64xi32, #tpu.memory_space<vmem>>
          %dma_start3A_119 = arith.constant 0 : i32
          %dma_start3A_120 = arith.constant 0 : i32
          %dma_start3A_121 = tpu.memref_slice %arg11[%dma_start3A_119, %dma_start3A_120] : memref<10240x128xf32, #tpu.memory_space<vmem_shared>> -> memref<10240x128xf32, #tpu.memory_space<vmem_shared>>
          tpu.enqueue_indirect_dma source(%arg10 : memref<64x128xf32, #tpu.memory_space<vmem>>) target(%dma_start3A_121 : memref<10240x128xf32, #tpu.memory_space<vmem_shared>>) offsets(%dma_start3A_118 : memref<64xi32, #tpu.memory_space<vmem>>) semaphore(%run_scoped3A : memref<!tpu.dma_semaphore, #tpu.memory_space<semaphore_mem>>) {add = true}
          %dma_wait3A_122 = arith.constant 0 : i32
          %dma_wait3A_123 = tpu.memref_slice %arg8[%add3A_115, %dma_wait3A_122] : memref<80x64xi32, #tpu.memory_space<vmem>> -> memref<1x64xi32, #tpu.memory_space<vmem>>
          %dma_wait3A_124 = tpu.memref_squeeze %dma_wait3A_123 : memref<1x64xi32, #tpu.memory_space<vmem>> -> memref<64xi32, #tpu.memory_space<vmem>>
          %dma_wait3A_125 = arith.constant 0 : i32
          %dma_wait3A_126 = arith.constant 0 : i32
          %dma_wait3A_127 = tpu.memref_slice %arg11[%dma_wait3A_125, %dma_wait3A_126] : memref<10240x128xf32, #tpu.memory_space<vmem_shared>> -> memref<10240x128xf32, #tpu.memory_space<vmem_shared>>
          tpu.wait_indirect_dma semaphore(%run_scoped3A : memref<!tpu.dma_semaphore, #tpu.memory_space<semaphore_mem>>) src(%arg10 : memref<64x128xf32, #tpu.memory_space<vmem>>) dst(%dma_wait3A_127 : memref<10240x128xf32, #tpu.memory_space<vmem_shared>>)
          tpu.yield
        }) : () -> ()
      }
    } else {
    }
    %eq3A_5 = arith.constant 0 : i32
    %eq3A_6 = arith.cmpi eq, %arg0, %eq3A_5 : i32
    %jit3A_7 = arith.constant 80 : i32
    %jit3A_8 = arith.constant 8 : i32
    %select_n3A_9 = arith.select %eq3A_6, %jit3A_7, %jit3A_8 : i32
    %gt3A_10 = arith.constant 0 : i32
    %gt3A_11 = arith.cmpi sgt, %select_n3A_9, %gt3A_10 : i32
    %convert_element_type3A_12 = arith.extui %gt3A_11 : i1 to i32
    %cond3A_13 = arith.constant 0 : i32
    %cond3A_14 = arith.cmpi ne, %convert_element_type3A_12, %cond3A_13 : i32
    scf.if %cond3A_14 {
      %eq3A_40 = arith.constant 0 : i32
      %eq3A_41 = arith.cmpi eq, %arg0, %eq3A_40 : i32
      %mul3A_42 = arith.constant 304 : i32
      %mul3A_43 = arith.muli %arg1, %mul3A_42 : i32
      %add3A = arith.constant 80 : i32
      %add3A_44 = arith.addi %mul3A_43, %add3A : i32
      %mul3A_45 = arith.constant 16 : i32
      %mul3A_46 = arith.muli %arg1, %mul3A_45 : i32
      %add3A_47 = arith.constant 4864 : i32
      %add3A_48 = arith.addi %add3A_47, %mul3A_46 : i32
      %add3A_49 = arith.constant 8 : i32
      %add3A_50 = arith.addi %add3A_48, %add3A_49 : i32
      %select_n3A_51 = arith.select %eq3A_41, %add3A_44, %add3A_50 : i32
      "tpu.region"() ({
        %run_scoped3A = tpu.sem_alloc : memref<!tpu.dma_semaphore, #tpu.memory_space<semaphore_mem>>
        %dma_start3A_85 = arith.constant 0 : i32
        %dma_start3A_86 = tpu.memref_slice %arg3[%select_n3A_51, %dma_start3A_85] : memref<5200x64xi32, #tpu.memory_space<hbm>> -> memref<80x64xi32, #tpu.memory_space<hbm>>
        %dma_start3A_87 = arith.constant 0 : i32
        %dma_start3A_88 = tpu.memref_slice %arg3[%select_n3A_51, %dma_start3A_87] : memref<5200x64xi32, #tpu.memory_space<hbm>> -> memref<80x64xi32, #tpu.memory_space<hbm>>
        tpu.enqueue_dma source(%dma_start3A_88 : memref<80x64xi32, #tpu.memory_space<hbm>>) target(%arg7 : memref<80x64xi32, #tpu.memory_space<vmem>>) target_semaphore(%run_scoped3A : memref<!tpu.dma_semaphore, #tpu.memory_space<semaphore_mem>>)
        %dma_wait3A = arith.constant 0 : i32
        %dma_wait3A_89 = tpu.memref_slice %arg3[%select_n3A_51, %dma_wait3A] : memref<5200x64xi32, #tpu.memory_space<hbm>> -> memref<80x64xi32, #tpu.memory_space<hbm>>
        %dma_wait3A_90 = arith.constant 0 : i32
        %dma_wait3A_91 = tpu.memref_slice %arg3[%select_n3A_51, %dma_wait3A_90] : memref<5200x64xi32, #tpu.memory_space<hbm>> -> memref<80x64xi32, #tpu.memory_space<hbm>>
        tpu.wait_dma2 semaphore(%run_scoped3A : memref<!tpu.dma_semaphore, #tpu.memory_space<semaphore_mem>>) src(%dma_wait3A_91 : memref<80x64xi32, #tpu.memory_space<hbm>>) dst(%arg7 : memref<80x64xi32, #tpu.memory_space<vmem>>)
        tpu.yield
      }) : () -> ()
      "tpu.region"() ({
        %run_scoped3A = tpu.sem_alloc : memref<!tpu.dma_semaphore, #tpu.memory_space<semaphore_mem>>
        %dma_start3A_85 = arith.constant 0 : i32
        %dma_start3A_86 = tpu.memref_slice %arg4[%select_n3A_51, %dma_start3A_85] : memref<5200x64xi32, #tpu.memory_space<hbm>> -> memref<80x64xi32, #tpu.memory_space<hbm>>
        %dma_start3A_87 = arith.constant 0 : i32
        %dma_start3A_88 = tpu.memref_slice %arg4[%select_n3A_51, %dma_start3A_87] : memref<5200x64xi32, #tpu.memory_space<hbm>> -> memref<80x64xi32, #tpu.memory_space<hbm>>
        tpu.enqueue_dma source(%dma_start3A_88 : memref<80x64xi32, #tpu.memory_space<hbm>>) target(%arg8 : memref<80x64xi32, #tpu.memory_space<vmem>>) target_semaphore(%run_scoped3A : memref<!tpu.dma_semaphore, #tpu.memory_space<semaphore_mem>>)
        %dma_wait3A = arith.constant 0 : i32
        %dma_wait3A_89 = tpu.memref_slice %arg4[%select_n3A_51, %dma_wait3A] : memref<5200x64xi32, #tpu.memory_space<hbm>> -> memref<80x64xi32, #tpu.memory_space<hbm>>
        %dma_wait3A_90 = arith.constant 0 : i32
        %dma_wait3A_91 = tpu.memref_slice %arg4[%select_n3A_51, %dma_wait3A_90] : memref<5200x64xi32, #tpu.memory_space<hbm>> -> memref<80x64xi32, #tpu.memory_space<hbm>>
        tpu.wait_dma2 semaphore(%run_scoped3A : memref<!tpu.dma_semaphore, #tpu.memory_space<semaphore_mem>>) src(%dma_wait3A_91 : memref<80x64xi32, #tpu.memory_space<hbm>>) dst(%arg8 : memref<80x64xi32, #tpu.memory_space<vmem>>)
        tpu.yield
      }) : () -> ()
      %dma_start3A = arith.constant 0 : i32
      %dma_start3A_52 = arith.constant 0 : i32
      %dma_start3A_53 = tpu.memref_slice %arg7[%dma_start3A, %dma_start3A_52] : memref<80x64xi32, #tpu.memory_space<vmem>> -> memref<1x64xi32, #tpu.memory_space<vmem>>
      %dma_start3A_54 = tpu.memref_squeeze %dma_start3A_53 : memref<1x64xi32, #tpu.memory_space<vmem>> -> memref<64xi32, #tpu.memory_space<vmem>>
      %dma_start3A_55 = arith.constant 0 : i32
      %dma_start3A_56 = arith.constant 0 : i32
      %dma_start3A_57 = tpu.memref_slice %arg2[%dma_start3A_55, %dma_start3A_56] : memref<10240x128xf32, #tpu.memory_space<hbm>> -> memref<10240x128xf32, #tpu.memory_space<hbm>>
      tpu.enqueue_indirect_dma source(%dma_start3A_57 : memref<10240x128xf32, #tpu.memory_space<hbm>>) target(%arg9 : memref<64x128xf32, #tpu.memory_space<vmem>>) offsets(%dma_start3A_54 : memref<64xi32, #tpu.memory_space<vmem>>) semaphore(%arg12 : memref<!tpu.dma_semaphore, #tpu.memory_space<semaphore_mem>>)
      %jit3A_58 = arith.constant 2 : i32
      %div3A = arith.divsi %select_n3A_9, %jit3A_58 : i32
      %sign3A = arith.constant 0 : i32
      %sign3A_59 = arith.cmpi sgt, %select_n3A_9, %sign3A : i32
      %sign3A_60 = arith.extui %sign3A_59 : i1 to i32
      %sign3A_61 = arith.constant 0 : i32
      %sign3A_62 = arith.cmpi slt, %select_n3A_9, %sign3A_61 : i32
      %sign3A_63 = arith.extui %sign3A_62 : i1 to i32
      %sign3A_64 = arith.subi %sign3A_60, %sign3A_63 : i32
      %sign3A_65 = arith.constant 0 : i32
      %sign3A_66 = arith.cmpi sgt, %jit3A_58, %sign3A_65 : i32
      %sign3A_67 = arith.extui %sign3A_66 : i1 to i32
      %sign3A_68 = arith.constant 0 : i32
      %sign3A_69 = arith.cmpi slt, %jit3A_58, %sign3A_68 : i32
      %sign3A_70 = arith.extui %sign3A_69 : i1 to i32
      %sign3A_71 = arith.subi %sign3A_67, %sign3A_70 : i32
      %ne3A = arith.cmpi ne, %sign3A_64, %sign3A_71 : i32
      %rem3A = arith.remsi %select_n3A_9, %jit3A_58 : i32
      %ne3A_72 = arith.constant 0 : i32
      %ne3A_73 = arith.cmpi ne, %rem3A, %ne3A_72 : i32
      %and3A = arith.andi %ne3A, %ne3A_73 : i1
      %sub3A = arith.constant 1 : i32
      %sub3A_74 = arith.subi %div3A, %sub3A : i32
      %select_n3A_75 = arith.select %and3A, %sub3A_74, %div3A : i32
      %while3A = arith.constant 0 : i32
      %while3A_76 = arith.constant 0 : i32
      %while3A_77 = arith.subi %select_n3A_75, %while3A_76 : i32
      %while3A_78 = arith.addi %while3A_76, %while3A_77 : i32
      %while3A_79 = arith.constant 1 : i32
      %while3A_80 = arith.divsi %while3A_77, %while3A_79 : i32
      %while3A_81 = arith.muli %while3A_80, %while3A_79 : i32
      %while3A_82 = arith.addi %while3A_76, %while3A_81 : i32
      %while3A_83 = arith.constant 1 : i32
      scf.for %while3A_85 = %while3A_76 to %while3A_82 step %while3A_83  : i32 {
        %mul3A_86 = arith.constant 2 : i32
        %mul3A_87 = arith.muli %mul3A_86, %while3A_85 : i32
        %dma_wait3A = arith.constant 0 : i32
        %dma_wait3A_88 = tpu.memref_slice %arg7[%mul3A_87, %dma_wait3A] : memref<80x64xi32, #tpu.memory_space<vmem>> -> memref<1x64xi32, #tpu.memory_space<vmem>>
        %dma_wait3A_89 = tpu.memref_squeeze %dma_wait3A_88 : memref<1x64xi32, #tpu.memory_space<vmem>> -> memref<64xi32, #tpu.memory_space<vmem>>
        %dma_wait3A_90 = arith.constant 0 : i32
        %dma_wait3A_91 = arith.constant 0 : i32
        %dma_wait3A_92 = tpu.memref_slice %arg2[%dma_wait3A_90, %dma_wait3A_91] : memref<10240x128xf32, #tpu.memory_space<hbm>> -> memref<10240x128xf32, #tpu.memory_space<hbm>>
        tpu.wait_indirect_dma semaphore(%arg12 : memref<!tpu.dma_semaphore, #tpu.memory_space<semaphore_mem>>) src(%dma_wait3A_92 : memref<10240x128xf32, #tpu.memory_space<hbm>>) dst(%arg9 : memref<64x128xf32, #tpu.memory_space<vmem>>)
        %add3A_93 = arith.constant 1 : i32
        %add3A_94 = arith.addi %mul3A_87, %add3A_93 : i32
        %dma_start3A_95 = arith.constant 0 : i32
        %dma_start3A_96 = tpu.memref_slice %arg7[%add3A_94, %dma_start3A_95] : memref<80x64xi32, #tpu.memory_space<vmem>> -> memref<1x64xi32, #tpu.memory_space<vmem>>
        %dma_start3A_97 = tpu.memref_squeeze %dma_start3A_96 : memref<1x64xi32, #tpu.memory_space<vmem>> -> memref<64xi32, #tpu.memory_space<vmem>>
        %dma_start3A_98 = arith.constant 0 : i32
        %dma_start3A_99 = arith.constant 0 : i32
        %dma_start3A_100 = tpu.memref_slice %arg2[%dma_start3A_98, %dma_start3A_99] : memref<10240x128xf32, #tpu.memory_space<hbm>> -> memref<10240x128xf32, #tpu.memory_space<hbm>>
        tpu.enqueue_indirect_dma source(%dma_start3A_100 : memref<10240x128xf32, #tpu.memory_space<hbm>>) target(%arg10 : memref<64x128xf32, #tpu.memory_space<vmem>>) offsets(%dma_start3A_97 : memref<64xi32, #tpu.memory_space<vmem>>) semaphore(%arg13 : memref<!tpu.dma_semaphore, #tpu.memory_space<semaphore_mem>>)
        "tpu.region"() ({
          %run_scoped3A = tpu.sem_alloc : memref<!tpu.dma_semaphore, #tpu.memory_space<semaphore_mem>>
          %dma_start3A_116 = arith.constant 0 : i32
          %dma_start3A_117 = tpu.memref_slice %arg8[%mul3A_87, %dma_start3A_116] : memref<80x64xi32, #tpu.memory_space<vmem>> -> memref<1x64xi32, #tpu.memory_space<vmem>>
          %dma_start3A_118 = tpu.memref_squeeze %dma_start3A_117 : memref<1x64xi32, #tpu.memory_space<vmem>> -> memref<64xi32, #tpu.memory_space<vmem>>
          %dma_start3A_119 = arith.constant 0 : i32
          %dma_start3A_120 = arith.constant 0 : i32
          %dma_start3A_121 = tpu.memref_slice %arg11[%dma_start3A_119, %dma_start3A_120] : memref<10240x128xf32, #tpu.memory_space<vmem_shared>> -> memref<10240x128xf32, #tpu.memory_space<vmem_shared>>
          tpu.enqueue_indirect_dma source(%arg9 : memref<64x128xf32, #tpu.memory_space<vmem>>) target(%dma_start3A_121 : memref<10240x128xf32, #tpu.memory_space<vmem_shared>>) offsets(%dma_start3A_118 : memref<64xi32, #tpu.memory_space<vmem>>) semaphore(%run_scoped3A : memref<!tpu.dma_semaphore, #tpu.memory_space<semaphore_mem>>) {add = true}
          %dma_wait3A_122 = arith.constant 0 : i32
          %dma_wait3A_123 = tpu.memref_slice %arg8[%mul3A_87, %dma_wait3A_122] : memref<80x64xi32, #tpu.memory_space<vmem>> -> memref<1x64xi32, #tpu.memory_space<vmem>>
          %dma_wait3A_124 = tpu.memref_squeeze %dma_wait3A_123 : memref<1x64xi32, #tpu.memory_space<vmem>> -> memref<64xi32, #tpu.memory_space<vmem>>
          %dma_wait3A_125 = arith.constant 0 : i32
          %dma_wait3A_126 = arith.constant 0 : i32
          %dma_wait3A_127 = tpu.memref_slice %arg11[%dma_wait3A_125, %dma_wait3A_126] : memref<10240x128xf32, #tpu.memory_space<vmem_shared>> -> memref<10240x128xf32, #tpu.memory_space<vmem_shared>>
          tpu.wait_indirect_dma semaphore(%run_scoped3A : memref<!tpu.dma_semaphore, #tpu.memory_space<semaphore_mem>>) src(%arg9 : memref<64x128xf32, #tpu.memory_space<vmem>>) dst(%dma_wait3A_127 : memref<10240x128xf32, #tpu.memory_space<vmem_shared>>)
          tpu.yield
        }) : () -> ()
        %add3A_101 = arith.constant 1 : i32
        %add3A_102 = arith.addi %mul3A_87, %add3A_101 : i32
        %dma_wait3A_103 = arith.constant 0 : i32
        %dma_wait3A_104 = tpu.memref_slice %arg7[%add3A_102, %dma_wait3A_103] : memref<80x64xi32, #tpu.memory_space<vmem>> -> memref<1x64xi32, #tpu.memory_space<vmem>>
        %dma_wait3A_105 = tpu.memref_squeeze %dma_wait3A_104 : memref<1x64xi32, #tpu.memory_space<vmem>> -> memref<64xi32, #tpu.memory_space<vmem>>
        %dma_wait3A_106 = arith.constant 0 : i32
        %dma_wait3A_107 = arith.constant 0 : i32
        %dma_wait3A_108 = tpu.memref_slice %arg2[%dma_wait3A_106, %dma_wait3A_107] : memref<10240x128xf32, #tpu.memory_space<hbm>> -> memref<10240x128xf32, #tpu.memory_space<hbm>>
        tpu.wait_indirect_dma semaphore(%arg13 : memref<!tpu.dma_semaphore, #tpu.memory_space<semaphore_mem>>) src(%dma_wait3A_108 : memref<10240x128xf32, #tpu.memory_space<hbm>>) dst(%arg10 : memref<64x128xf32, #tpu.memory_space<vmem>>)
        %add3A_109 = arith.constant 2 : i32
        %add3A_110 = arith.addi %mul3A_87, %add3A_109 : i32
        %lt3A = arith.cmpi slt, %add3A_110, %select_n3A_9 : i32
        %convert_element_type3A_111 = arith.extui %lt3A : i1 to i32
        %cond3A_112 = arith.constant 0 : i32
        %cond3A_113 = arith.cmpi ne, %convert_element_type3A_111, %cond3A_112 : i32
        scf.if %cond3A_113 {
          %add3A_116 = arith.constant 2 : i32
          %add3A_117 = arith.addi %mul3A_87, %add3A_116 : i32
          %dma_start3A_118 = arith.constant 0 : i32
          %dma_start3A_119 = tpu.memref_slice %arg7[%add3A_117, %dma_start3A_118] : memref<80x64xi32, #tpu.memory_space<vmem>> -> memref<1x64xi32, #tpu.memory_space<vmem>>
          %dma_start3A_120 = tpu.memref_squeeze %dma_start3A_119 : memref<1x64xi32, #tpu.memory_space<vmem>> -> memref<64xi32, #tpu.memory_space<vmem>>
          %dma_start3A_121 = arith.constant 0 : i32
          %dma_start3A_122 = arith.constant 0 : i32
          %dma_start3A_123 = tpu.memref_slice %arg2[%dma_start3A_121, %dma_start3A_122] : memref<10240x128xf32, #tpu.memory_space<hbm>> -> memref<10240x128xf32, #tpu.memory_space<hbm>>
          tpu.enqueue_indirect_dma source(%dma_start3A_123 : memref<10240x128xf32, #tpu.memory_space<hbm>>) target(%arg9 : memref<64x128xf32, #tpu.memory_space<vmem>>) offsets(%dma_start3A_120 : memref<64xi32, #tpu.memory_space<vmem>>) semaphore(%arg12 : memref<!tpu.dma_semaphore, #tpu.memory_space<semaphore_mem>>)
        } else {
        }
        %add3A_114 = arith.constant 1 : i32
        %add3A_115 = arith.addi %mul3A_87, %add3A_114 : i32
        "tpu.region"() ({
          %run_scoped3A = tpu.sem_alloc : memref<!tpu.dma_semaphore, #tpu.memory_space<semaphore_mem>>
          %dma_start3A_116 = arith.constant 0 : i32
          %dma_start3A_117 = tpu.memref_slice %arg8[%add3A_115, %dma_start3A_116] : memref<80x64xi32, #tpu.memory_space<vmem>> -> memref<1x64xi32, #tpu.memory_space<vmem>>
          %dma_start3A_118 = tpu.memref_squeeze %dma_start3A_117 : memref<1x64xi32, #tpu.memory_space<vmem>> -> memref<64xi32, #tpu.memory_space<vmem>>
          %dma_start3A_119 = arith.constant 0 : i32
          %dma_start3A_120 = arith.constant 0 : i32
          %dma_start3A_121 = tpu.memref_slice %arg11[%dma_start3A_119, %dma_start3A_120] : memref<10240x128xf32, #tpu.memory_space<vmem_shared>> -> memref<10240x128xf32, #tpu.memory_space<vmem_shared>>
          tpu.enqueue_indirect_dma source(%arg10 : memref<64x128xf32, #tpu.memory_space<vmem>>) target(%dma_start3A_121 : memref<10240x128xf32, #tpu.memory_space<vmem_shared>>) offsets(%dma_start3A_118 : memref<64xi32, #tpu.memory_space<vmem>>) semaphore(%run_scoped3A : memref<!tpu.dma_semaphore, #tpu.memory_space<semaphore_mem>>) {add = true}
          %dma_wait3A_122 = arith.constant 0 : i32
          %dma_wait3A_123 = tpu.memref_slice %arg8[%add3A_115, %dma_wait3A_122] : memref<80x64xi32, #tpu.memory_space<vmem>> -> memref<1x64xi32, #tpu.memory_space<vmem>>
          %dma_wait3A_124 = tpu.memref_squeeze %dma_wait3A_123 : memref<1x64xi32, #tpu.memory_space<vmem>> -> memref<64xi32, #tpu.memory_space<vmem>>
          %dma_wait3A_125 = arith.constant 0 : i32
          %dma_wait3A_126 = arith.constant 0 : i32
          %dma_wait3A_127 = tpu.memref_slice %arg11[%dma_wait3A_125, %dma_wait3A_126] : memref<10240x128xf32, #tpu.memory_space<vmem_shared>> -> memref<10240x128xf32, #tpu.memory_space<vmem_shared>>
          tpu.wait_indirect_dma semaphore(%run_scoped3A : memref<!tpu.dma_semaphore, #tpu.memory_space<semaphore_mem>>) src(%arg10 : memref<64x128xf32, #tpu.memory_space<vmem>>) dst(%dma_wait3A_127 : memref<10240x128xf32, #tpu.memory_space<vmem_shared>>)
          tpu.yield
        }) : () -> ()
      }
      %while3A_84 = arith.constant 1 : i32
      scf.for %while3A_85 = %while3A_82 to %while3A_78 step %while3A_84  : i32 {
        %mul3A_86 = arith.constant 2 : i32
        %mul3A_87 = arith.muli %mul3A_86, %while3A_85 : i32
        %dma_wait3A = arith.constant 0 : i32
        %dma_wait3A_88 = tpu.memref_slice %arg7[%mul3A_87, %dma_wait3A] : memref<80x64xi32, #tpu.memory_space<vmem>> -> memref<1x64xi32, #tpu.memory_space<vmem>>
        %dma_wait3A_89 = tpu.memref_squeeze %dma_wait3A_88 : memref<1x64xi32, #tpu.memory_space<vmem>> -> memref<64xi32, #tpu.memory_space<vmem>>
        %dma_wait3A_90 = arith.constant 0 : i32
        %dma_wait3A_91 = arith.constant 0 : i32
        %dma_wait3A_92 = tpu.memref_slice %arg2[%dma_wait3A_90, %dma_wait3A_91] : memref<10240x128xf32, #tpu.memory_space<hbm>> -> memref<10240x128xf32, #tpu.memory_space<hbm>>
        tpu.wait_indirect_dma semaphore(%arg12 : memref<!tpu.dma_semaphore, #tpu.memory_space<semaphore_mem>>) src(%dma_wait3A_92 : memref<10240x128xf32, #tpu.memory_space<hbm>>) dst(%arg9 : memref<64x128xf32, #tpu.memory_space<vmem>>)
        %add3A_93 = arith.constant 1 : i32
        %add3A_94 = arith.addi %mul3A_87, %add3A_93 : i32
        %dma_start3A_95 = arith.constant 0 : i32
        %dma_start3A_96 = tpu.memref_slice %arg7[%add3A_94, %dma_start3A_95] : memref<80x64xi32, #tpu.memory_space<vmem>> -> memref<1x64xi32, #tpu.memory_space<vmem>>
        %dma_start3A_97 = tpu.memref_squeeze %dma_start3A_96 : memref<1x64xi32, #tpu.memory_space<vmem>> -> memref<64xi32, #tpu.memory_space<vmem>>
        %dma_start3A_98 = arith.constant 0 : i32
        %dma_start3A_99 = arith.constant 0 : i32
        %dma_start3A_100 = tpu.memref_slice %arg2[%dma_start3A_98, %dma_start3A_99] : memref<10240x128xf32, #tpu.memory_space<hbm>> -> memref<10240x128xf32, #tpu.memory_space<hbm>>
        tpu.enqueue_indirect_dma source(%dma_start3A_100 : memref<10240x128xf32, #tpu.memory_space<hbm>>) target(%arg10 : memref<64x128xf32, #tpu.memory_space<vmem>>) offsets(%dma_start3A_97 : memref<64xi32, #tpu.memory_space<vmem>>) semaphore(%arg13 : memref<!tpu.dma_semaphore, #tpu.memory_space<semaphore_mem>>)
        "tpu.region"() ({
          %run_scoped3A = tpu.sem_alloc : memref<!tpu.dma_semaphore, #tpu.memory_space<semaphore_mem>>
          %dma_start3A_116 = arith.constant 0 : i32
          %dma_start3A_117 = tpu.memref_slice %arg8[%mul3A_87, %dma_start3A_116] : memref<80x64xi32, #tpu.memory_space<vmem>> -> memref<1x64xi32, #tpu.memory_space<vmem>>
          %dma_start3A_118 = tpu.memref_squeeze %dma_start3A_117 : memref<1x64xi32, #tpu.memory_space<vmem>> -> memref<64xi32, #tpu.memory_space<vmem>>
          %dma_start3A_119 = arith.constant 0 : i32
          %dma_start3A_120 = arith.constant 0 : i32
          %dma_start3A_121 = tpu.memref_slice %arg11[%dma_start3A_119, %dma_start3A_120] : memref<10240x128xf32, #tpu.memory_space<vmem_shared>> -> memref<10240x128xf32, #tpu.memory_space<vmem_shared>>
          tpu.enqueue_indirect_dma source(%arg9 : memref<64x128xf32, #tpu.memory_space<vmem>>) target(%dma_start3A_121 : memref<10240x128xf32, #tpu.memory_space<vmem_shared>>) offsets(%dma_start3A_118 : memref<64xi32, #tpu.memory_space<vmem>>) semaphore(%run_scoped3A : memref<!tpu.dma_semaphore, #tpu.memory_space<semaphore_mem>>) {add = true}
          %dma_wait3A_122 = arith.constant 0 : i32
          %dma_wait3A_123 = tpu.memref_slice %arg8[%mul3A_87, %dma_wait3A_122] : memref<80x64xi32, #tpu.memory_space<vmem>> -> memref<1x64xi32, #tpu.memory_space<vmem>>
          %dma_wait3A_124 = tpu.memref_squeeze %dma_wait3A_123 : memref<1x64xi32, #tpu.memory_space<vmem>> -> memref<64xi32, #tpu.memory_space<vmem>>
          %dma_wait3A_125 = arith.constant 0 : i32
          %dma_wait3A_126 = arith.constant 0 : i32
          %dma_wait3A_127 = tpu.memref_slice %arg11[%dma_wait3A_125, %dma_wait3A_126] : memref<10240x128xf32, #tpu.memory_space<vmem_shared>> -> memref<10240x128xf32, #tpu.memory_space<vmem_shared>>
          tpu.wait_indirect_dma semaphore(%run_scoped3A : memref<!tpu.dma_semaphore, #tpu.memory_space<semaphore_mem>>) src(%arg9 : memref<64x128xf32, #tpu.memory_space<vmem>>) dst(%dma_wait3A_127 : memref<10240x128xf32, #tpu.memory_space<vmem_shared>>)
          tpu.yield
        }) : () -> ()
        %add3A_101 = arith.constant 1 : i32
        %add3A_102 = arith.addi %mul3A_87, %add3A_101 : i32
        %dma_wait3A_103 = arith.constant 0 : i32
        %dma_wait3A_104 = tpu.memref_slice %arg7[%add3A_102, %dma_wait3A_103] : memref<80x64xi32, #tpu.memory_space<vmem>> -> memref<1x64xi32, #tpu.memory_space<vmem>>
        %dma_wait3A_105 = tpu.memref_squeeze %dma_wait3A_104 : memref<1x64xi32, #tpu.memory_space<vmem>> -> memref<64xi32, #tpu.memory_space<vmem>>
        %dma_wait3A_106 = arith.constant 0 : i32
        %dma_wait3A_107 = arith.constant 0 : i32
        %dma_wait3A_108 = tpu.memref_slice %arg2[%dma_wait3A_106, %dma_wait3A_107] : memref<10240x128xf32, #tpu.memory_space<hbm>> -> memref<10240x128xf32, #tpu.memory_space<hbm>>
        tpu.wait_indirect_dma semaphore(%arg13 : memref<!tpu.dma_semaphore, #tpu.memory_space<semaphore_mem>>) src(%dma_wait3A_108 : memref<10240x128xf32, #tpu.memory_space<hbm>>) dst(%arg10 : memref<64x128xf32, #tpu.memory_space<vmem>>)
        %add3A_109 = arith.constant 2 : i32
        %add3A_110 = arith.addi %mul3A_87, %add3A_109 : i32
        %lt3A = arith.cmpi slt, %add3A_110, %select_n3A_9 : i32
        %convert_element_type3A_111 = arith.extui %lt3A : i1 to i32
        %cond3A_112 = arith.constant 0 : i32
        %cond3A_113 = arith.cmpi ne, %convert_element_type3A_111, %cond3A_112 : i32
        scf.if %cond3A_113 {
          %add3A_116 = arith.constant 2 : i32
          %add3A_117 = arith.addi %mul3A_87, %add3A_116 : i32
          %dma_start3A_118 = arith.constant 0 : i32
          %dma_start3A_119 = tpu.memref_slice %arg7[%add3A_117, %dma_start3A_118] : memref<80x64xi32, #tpu.memory_space<vmem>> -> memref<1x64xi32, #tpu.memory_space<vmem>>
          %dma_start3A_120 = tpu.memref_squeeze %dma_start3A_119 : memref<1x64xi32, #tpu.memory_space<vmem>> -> memref<64xi32, #tpu.memory_space<vmem>>
          %dma_start3A_121 = arith.constant 0 : i32
          %dma_start3A_122 = arith.constant 0 : i32
          %dma_start3A_123 = tpu.memref_slice %arg2[%dma_start3A_121, %dma_start3A_122] : memref<10240x128xf32, #tpu.memory_space<hbm>> -> memref<10240x128xf32, #tpu.memory_space<hbm>>
          tpu.enqueue_indirect_dma source(%dma_start3A_123 : memref<10240x128xf32, #tpu.memory_space<hbm>>) target(%arg9 : memref<64x128xf32, #tpu.memory_space<vmem>>) offsets(%dma_start3A_120 : memref<64xi32, #tpu.memory_space<vmem>>) semaphore(%arg12 : memref<!tpu.dma_semaphore, #tpu.memory_space<semaphore_mem>>)
        } else {
        }
        %add3A_114 = arith.constant 1 : i32
        %add3A_115 = arith.addi %mul3A_87, %add3A_114 : i32
        "tpu.region"() ({
          %run_scoped3A = tpu.sem_alloc : memref<!tpu.dma_semaphore, #tpu.memory_space<semaphore_mem>>
          %dma_start3A_116 = arith.constant 0 : i32
          %dma_start3A_117 = tpu.memref_slice %arg8[%add3A_115, %dma_start3A_116] : memref<80x64xi32, #tpu.memory_space<vmem>> -> memref<1x64xi32, #tpu.memory_space<vmem>>
          %dma_start3A_118 = tpu.memref_squeeze %dma_start3A_117 : memref<1x64xi32, #tpu.memory_space<vmem>> -> memref<64xi32, #tpu.memory_space<vmem>>
          %dma_start3A_119 = arith.constant 0 : i32
          %dma_start3A_120 = arith.constant 0 : i32
          %dma_start3A_121 = tpu.memref_slice %arg11[%dma_start3A_119, %dma_start3A_120] : memref<10240x128xf32, #tpu.memory_space<vmem_shared>> -> memref<10240x128xf32, #tpu.memory_space<vmem_shared>>
          tpu.enqueue_indirect_dma source(%arg10 : memref<64x128xf32, #tpu.memory_space<vmem>>) target(%dma_start3A_121 : memref<10240x128xf32, #tpu.memory_space<vmem_shared>>) offsets(%dma_start3A_118 : memref<64xi32, #tpu.memory_space<vmem>>) semaphore(%run_scoped3A : memref<!tpu.dma_semaphore, #tpu.memory_space<semaphore_mem>>) {add = true}
          %dma_wait3A_122 = arith.constant 0 : i32
          %dma_wait3A_123 = tpu.memref_slice %arg8[%add3A_115, %dma_wait3A_122] : memref<80x64xi32, #tpu.memory_space<vmem>> -> memref<1x64xi32, #tpu.memory_space<vmem>>
          %dma_wait3A_124 = tpu.memref_squeeze %dma_wait3A_123 : memref<1x64xi32, #tpu.memory_space<vmem>> -> memref<64xi32, #tpu.memory_space<vmem>>
          %dma_wait3A_125 = arith.constant 0 : i32
          %dma_wait3A_126 = arith.constant 0 : i32
          %dma_wait3A_127 = tpu.memref_slice %arg11[%dma_wait3A_125, %dma_wait3A_126] : memref<10240x128xf32, #tpu.memory_space<vmem_shared>> -> memref<10240x128xf32, #tpu.memory_space<vmem_shared>>
          tpu.wait_indirect_dma semaphore(%run_scoped3A : memref<!tpu.dma_semaphore, #tpu.memory_space<semaphore_mem>>) src(%arg10 : memref<64x128xf32, #tpu.memory_space<vmem>>) dst(%dma_wait3A_127 : memref<10240x128xf32, #tpu.memory_space<vmem_shared>>)
          tpu.yield
        }) : () -> ()
      }
    } else {
    }
    %eq3A_15 = arith.constant 0 : i32
    %eq3A_16 = arith.cmpi eq, %arg0, %eq3A_15 : i32
    %jit3A_17 = arith.constant 80 : i32
    %jit3A_18 = arith.constant 0 : i32
    %select_n3A_19 = arith.select %eq3A_16, %jit3A_17, %jit3A_18 : i32
    %gt3A_20 = arith.constant 0 : i32
    %gt3A_21 = arith.cmpi sgt, %select_n3A_19, %gt3A_20 : i32
    %convert_element_type3A_22 = arith.extui %gt3A_21 : i1 to i32
    %cond3A_23 = arith.constant 0 : i32
    %cond3A_24 = arith.cmpi ne, %convert_element_type3A_22, %cond3A_23 : i32
    scf.if %cond3A_24 {
      %eq3A_40 = arith.constant 0 : i32
      %eq3A_41 = arith.cmpi eq, %arg0, %eq3A_40 : i32
      %mul3A_42 = arith.constant 304 : i32
      %mul3A_43 = arith.muli %arg1, %mul3A_42 : i32
      %add3A = arith.constant 160 : i32
      %add3A_44 = arith.addi %mul3A_43, %add3A : i32
      %mul3A_45 = arith.constant 16 : i32
      %mul3A_46 = arith.muli %arg1, %mul3A_45 : i32
      %add3A_47 = arith.constant 4864 : i32
      %add3A_48 = arith.addi %add3A_47, %mul3A_46 : i32
      %add3A_49 = arith.constant 16 : i32
      %add3A_50 = arith.addi %add3A_48, %add3A_49 : i32
      %select_n3A_51 = arith.select %eq3A_41, %add3A_44, %add3A_50 : i32
      "tpu.region"() ({
        %run_scoped3A = tpu.sem_alloc : memref<!tpu.dma_semaphore, #tpu.memory_space<semaphore_mem>>
        %dma_start3A_85 = arith.constant 0 : i32
        %dma_start3A_86 = tpu.memref_slice %arg3[%select_n3A_51, %dma_start3A_85] : memref<5200x64xi32, #tpu.memory_space<hbm>> -> memref<80x64xi32, #tpu.memory_space<hbm>>
        %dma_start3A_87 = arith.constant 0 : i32
        %dma_start3A_88 = tpu.memref_slice %arg3[%select_n3A_51, %dma_start3A_87] : memref<5200x64xi32, #tpu.memory_space<hbm>> -> memref<80x64xi32, #tpu.memory_space<hbm>>
        tpu.enqueue_dma source(%dma_start3A_88 : memref<80x64xi32, #tpu.memory_space<hbm>>) target(%arg7 : memref<80x64xi32, #tpu.memory_space<vmem>>) target_semaphore(%run_scoped3A : memref<!tpu.dma_semaphore, #tpu.memory_space<semaphore_mem>>)
        %dma_wait3A = arith.constant 0 : i32
        %dma_wait3A_89 = tpu.memref_slice %arg3[%select_n3A_51, %dma_wait3A] : memref<5200x64xi32, #tpu.memory_space<hbm>> -> memref<80x64xi32, #tpu.memory_space<hbm>>
        %dma_wait3A_90 = arith.constant 0 : i32
        %dma_wait3A_91 = tpu.memref_slice %arg3[%select_n3A_51, %dma_wait3A_90] : memref<5200x64xi32, #tpu.memory_space<hbm>> -> memref<80x64xi32, #tpu.memory_space<hbm>>
        tpu.wait_dma2 semaphore(%run_scoped3A : memref<!tpu.dma_semaphore, #tpu.memory_space<semaphore_mem>>) src(%dma_wait3A_91 : memref<80x64xi32, #tpu.memory_space<hbm>>) dst(%arg7 : memref<80x64xi32, #tpu.memory_space<vmem>>)
        tpu.yield
      }) : () -> ()
      "tpu.region"() ({
        %run_scoped3A = tpu.sem_alloc : memref<!tpu.dma_semaphore, #tpu.memory_space<semaphore_mem>>
        %dma_start3A_85 = arith.constant 0 : i32
        %dma_start3A_86 = tpu.memref_slice %arg4[%select_n3A_51, %dma_start3A_85] : memref<5200x64xi32, #tpu.memory_space<hbm>> -> memref<80x64xi32, #tpu.memory_space<hbm>>
        %dma_start3A_87 = arith.constant 0 : i32
        %dma_start3A_88 = tpu.memref_slice %arg4[%select_n3A_51, %dma_start3A_87] : memref<5200x64xi32, #tpu.memory_space<hbm>> -> memref<80x64xi32, #tpu.memory_space<hbm>>
        tpu.enqueue_dma source(%dma_start3A_88 : memref<80x64xi32, #tpu.memory_space<hbm>>) target(%arg8 : memref<80x64xi32, #tpu.memory_space<vmem>>) target_semaphore(%run_scoped3A : memref<!tpu.dma_semaphore, #tpu.memory_space<semaphore_mem>>)
        %dma_wait3A = arith.constant 0 : i32
        %dma_wait3A_89 = tpu.memref_slice %arg4[%select_n3A_51, %dma_wait3A] : memref<5200x64xi32, #tpu.memory_space<hbm>> -> memref<80x64xi32, #tpu.memory_space<hbm>>
        %dma_wait3A_90 = arith.constant 0 : i32
        %dma_wait3A_91 = tpu.memref_slice %arg4[%select_n3A_51, %dma_wait3A_90] : memref<5200x64xi32, #tpu.memory_space<hbm>> -> memref<80x64xi32, #tpu.memory_space<hbm>>
        tpu.wait_dma2 semaphore(%run_scoped3A : memref<!tpu.dma_semaphore, #tpu.memory_space<semaphore_mem>>) src(%dma_wait3A_91 : memref<80x64xi32, #tpu.memory_space<hbm>>) dst(%arg8 : memref<80x64xi32, #tpu.memory_space<vmem>>)
        tpu.yield
      }) : () -> ()
      %dma_start3A = arith.constant 0 : i32
      %dma_start3A_52 = arith.constant 0 : i32
      %dma_start3A_53 = tpu.memref_slice %arg7[%dma_start3A, %dma_start3A_52] : memref<80x64xi32, #tpu.memory_space<vmem>> -> memref<1x64xi32, #tpu.memory_space<vmem>>
      %dma_start3A_54 = tpu.memref_squeeze %dma_start3A_53 : memref<1x64xi32, #tpu.memory_space<vmem>> -> memref<64xi32, #tpu.memory_space<vmem>>
      %dma_start3A_55 = arith.constant 0 : i32
      %dma_start3A_56 = arith.constant 0 : i32
      %dma_start3A_57 = tpu.memref_slice %arg2[%dma_start3A_55, %dma_start3A_56] : memref<10240x128xf32, #tpu.memory_space<hbm>> -> memref<10240x128xf32, #tpu.memory_space<hbm>>
      tpu.enqueue_indirect_dma source(%dma_start3A_57 : memref<10240x128xf32, #tpu.memory_space<hbm>>) target(%arg9 : memref<64x128xf32, #tpu.memory_space<vmem>>) offsets(%dma_start3A_54 : memref<64xi32, #tpu.memory_space<vmem>>) semaphore(%arg12 : memref<!tpu.dma_semaphore, #tpu.memory_space<semaphore_mem>>)
      %jit3A_58 = arith.constant 2 : i32
      %div3A = arith.divsi %select_n3A_19, %jit3A_58 : i32
      %sign3A = arith.constant 0 : i32
      %sign3A_59 = arith.cmpi sgt, %select_n3A_19, %sign3A : i32
      %sign3A_60 = arith.extui %sign3A_59 : i1 to i32
      %sign3A_61 = arith.constant 0 : i32
      %sign3A_62 = arith.cmpi slt, %select_n3A_19, %sign3A_61 : i32
      %sign3A_63 = arith.extui %sign3A_62 : i1 to i32
      %sign3A_64 = arith.subi %sign3A_60, %sign3A_63 : i32
      %sign3A_65 = arith.constant 0 : i32
      %sign3A_66 = arith.cmpi sgt, %jit3A_58, %sign3A_65 : i32
      %sign3A_67 = arith.extui %sign3A_66 : i1 to i32
      %sign3A_68 = arith.constant 0 : i32
      %sign3A_69 = arith.cmpi slt, %jit3A_58, %sign3A_68 : i32
      %sign3A_70 = arith.extui %sign3A_69 : i1 to i32
      %sign3A_71 = arith.subi %sign3A_67, %sign3A_70 : i32
      %ne3A = arith.cmpi ne, %sign3A_64, %sign3A_71 : i32
      %rem3A = arith.remsi %select_n3A_19, %jit3A_58 : i32
      %ne3A_72 = arith.constant 0 : i32
      %ne3A_73 = arith.cmpi ne, %rem3A, %ne3A_72 : i32
      %and3A = arith.andi %ne3A, %ne3A_73 : i1
      %sub3A = arith.constant 1 : i32
      %sub3A_74 = arith.subi %div3A, %sub3A : i32
      %select_n3A_75 = arith.select %and3A, %sub3A_74, %div3A : i32
      %while3A = arith.constant 0 : i32
      %while3A_76 = arith.constant 0 : i32
      %while3A_77 = arith.subi %select_n3A_75, %while3A_76 : i32
      %while3A_78 = arith.addi %while3A_76, %while3A_77 : i32
      %while3A_79 = arith.constant 1 : i32
      %while3A_80 = arith.divsi %while3A_77, %while3A_79 : i32
      %while3A_81 = arith.muli %while3A_80, %while3A_79 : i32
      %while3A_82 = arith.addi %while3A_76, %while3A_81 : i32
      %while3A_83 = arith.constant 1 : i32
      scf.for %while3A_85 = %while3A_76 to %while3A_82 step %while3A_83  : i32 {
        %mul3A_86 = arith.constant 2 : i32
        %mul3A_87 = arith.muli %mul3A_86, %while3A_85 : i32
        %dma_wait3A = arith.constant 0 : i32
        %dma_wait3A_88 = tpu.memref_slice %arg7[%mul3A_87, %dma_wait3A] : memref<80x64xi32, #tpu.memory_space<vmem>> -> memref<1x64xi32, #tpu.memory_space<vmem>>
        %dma_wait3A_89 = tpu.memref_squeeze %dma_wait3A_88 : memref<1x64xi32, #tpu.memory_space<vmem>> -> memref<64xi32, #tpu.memory_space<vmem>>
        %dma_wait3A_90 = arith.constant 0 : i32
        %dma_wait3A_91 = arith.constant 0 : i32
        %dma_wait3A_92 = tpu.memref_slice %arg2[%dma_wait3A_90, %dma_wait3A_91] : memref<10240x128xf32, #tpu.memory_space<hbm>> -> memref<10240x128xf32, #tpu.memory_space<hbm>>
        tpu.wait_indirect_dma semaphore(%arg12 : memref<!tpu.dma_semaphore, #tpu.memory_space<semaphore_mem>>) src(%dma_wait3A_92 : memref<10240x128xf32, #tpu.memory_space<hbm>>) dst(%arg9 : memref<64x128xf32, #tpu.memory_space<vmem>>)
        %add3A_93 = arith.constant 1 : i32
        %add3A_94 = arith.addi %mul3A_87, %add3A_93 : i32
        %dma_start3A_95 = arith.constant 0 : i32
        %dma_start3A_96 = tpu.memref_slice %arg7[%add3A_94, %dma_start3A_95] : memref<80x64xi32, #tpu.memory_space<vmem>> -> memref<1x64xi32, #tpu.memory_space<vmem>>
        %dma_start3A_97 = tpu.memref_squeeze %dma_start3A_96 : memref<1x64xi32, #tpu.memory_space<vmem>> -> memref<64xi32, #tpu.memory_space<vmem>>
        %dma_start3A_98 = arith.constant 0 : i32
        %dma_start3A_99 = arith.constant 0 : i32
        %dma_start3A_100 = tpu.memref_slice %arg2[%dma_start3A_98, %dma_start3A_99] : memref<10240x128xf32, #tpu.memory_space<hbm>> -> memref<10240x128xf32, #tpu.memory_space<hbm>>
        tpu.enqueue_indirect_dma source(%dma_start3A_100 : memref<10240x128xf32, #tpu.memory_space<hbm>>) target(%arg10 : memref<64x128xf32, #tpu.memory_space<vmem>>) offsets(%dma_start3A_97 : memref<64xi32, #tpu.memory_space<vmem>>) semaphore(%arg13 : memref<!tpu.dma_semaphore, #tpu.memory_space<semaphore_mem>>)
        "tpu.region"() ({
          %run_scoped3A = tpu.sem_alloc : memref<!tpu.dma_semaphore, #tpu.memory_space<semaphore_mem>>
          %dma_start3A_116 = arith.constant 0 : i32
          %dma_start3A_117 = tpu.memref_slice %arg8[%mul3A_87, %dma_start3A_116] : memref<80x64xi32, #tpu.memory_space<vmem>> -> memref<1x64xi32, #tpu.memory_space<vmem>>
          %dma_start3A_118 = tpu.memref_squeeze %dma_start3A_117 : memref<1x64xi32, #tpu.memory_space<vmem>> -> memref<64xi32, #tpu.memory_space<vmem>>
          %dma_start3A_119 = arith.constant 0 : i32
          %dma_start3A_120 = arith.constant 0 : i32
          %dma_start3A_121 = tpu.memref_slice %arg11[%dma_start3A_119, %dma_start3A_120] : memref<10240x128xf32, #tpu.memory_space<vmem_shared>> -> memref<10240x128xf32, #tpu.memory_space<vmem_shared>>
          tpu.enqueue_indirect_dma source(%arg9 : memref<64x128xf32, #tpu.memory_space<vmem>>) target(%dma_start3A_121 : memref<10240x128xf32, #tpu.memory_space<vmem_shared>>) offsets(%dma_start3A_118 : memref<64xi32, #tpu.memory_space<vmem>>) semaphore(%run_scoped3A : memref<!tpu.dma_semaphore, #tpu.memory_space<semaphore_mem>>) {add = true}
          %dma_wait3A_122 = arith.constant 0 : i32
          %dma_wait3A_123 = tpu.memref_slice %arg8[%mul3A_87, %dma_wait3A_122] : memref<80x64xi32, #tpu.memory_space<vmem>> -> memref<1x64xi32, #tpu.memory_space<vmem>>
          %dma_wait3A_124 = tpu.memref_squeeze %dma_wait3A_123 : memref<1x64xi32, #tpu.memory_space<vmem>> -> memref<64xi32, #tpu.memory_space<vmem>>
          %dma_wait3A_125 = arith.constant 0 : i32
          %dma_wait3A_126 = arith.constant 0 : i32
          %dma_wait3A_127 = tpu.memref_slice %arg11[%dma_wait3A_125, %dma_wait3A_126] : memref<10240x128xf32, #tpu.memory_space<vmem_shared>> -> memref<10240x128xf32, #tpu.memory_space<vmem_shared>>
          tpu.wait_indirect_dma semaphore(%run_scoped3A : memref<!tpu.dma_semaphore, #tpu.memory_space<semaphore_mem>>) src(%arg9 : memref<64x128xf32, #tpu.memory_space<vmem>>) dst(%dma_wait3A_127 : memref<10240x128xf32, #tpu.memory_space<vmem_shared>>)
          tpu.yield
        }) : () -> ()
        %add3A_101 = arith.constant 1 : i32
        %add3A_102 = arith.addi %mul3A_87, %add3A_101 : i32
        %dma_wait3A_103 = arith.constant 0 : i32
        %dma_wait3A_104 = tpu.memref_slice %arg7[%add3A_102, %dma_wait3A_103] : memref<80x64xi32, #tpu.memory_space<vmem>> -> memref<1x64xi32, #tpu.memory_space<vmem>>
        %dma_wait3A_105 = tpu.memref_squeeze %dma_wait3A_104 : memref<1x64xi32, #tpu.memory_space<vmem>> -> memref<64xi32, #tpu.memory_space<vmem>>
        %dma_wait3A_106 = arith.constant 0 : i32
        %dma_wait3A_107 = arith.constant 0 : i32
        %dma_wait3A_108 = tpu.memref_slice %arg2[%dma_wait3A_106, %dma_wait3A_107] : memref<10240x128xf32, #tpu.memory_space<hbm>> -> memref<10240x128xf32, #tpu.memory_space<hbm>>
        tpu.wait_indirect_dma semaphore(%arg13 : memref<!tpu.dma_semaphore, #tpu.memory_space<semaphore_mem>>) src(%dma_wait3A_108 : memref<10240x128xf32, #tpu.memory_space<hbm>>) dst(%arg10 : memref<64x128xf32, #tpu.memory_space<vmem>>)
        %add3A_109 = arith.constant 2 : i32
        %add3A_110 = arith.addi %mul3A_87, %add3A_109 : i32
        %lt3A = arith.cmpi slt, %add3A_110, %select_n3A_19 : i32
        %convert_element_type3A_111 = arith.extui %lt3A : i1 to i32
        %cond3A_112 = arith.constant 0 : i32
        %cond3A_113 = arith.cmpi ne, %convert_element_type3A_111, %cond3A_112 : i32
        scf.if %cond3A_113 {
          %add3A_116 = arith.constant 2 : i32
          %add3A_117 = arith.addi %mul3A_87, %add3A_116 : i32
          %dma_start3A_118 = arith.constant 0 : i32
          %dma_start3A_119 = tpu.memref_slice %arg7[%add3A_117, %dma_start3A_118] : memref<80x64xi32, #tpu.memory_space<vmem>> -> memref<1x64xi32, #tpu.memory_space<vmem>>
          %dma_start3A_120 = tpu.memref_squeeze %dma_start3A_119 : memref<1x64xi32, #tpu.memory_space<vmem>> -> memref<64xi32, #tpu.memory_space<vmem>>
          %dma_start3A_121 = arith.constant 0 : i32
          %dma_start3A_122 = arith.constant 0 : i32
          %dma_start3A_123 = tpu.memref_slice %arg2[%dma_start3A_121, %dma_start3A_122] : memref<10240x128xf32, #tpu.memory_space<hbm>> -> memref<10240x128xf32, #tpu.memory_space<hbm>>
          tpu.enqueue_indirect_dma source(%dma_start3A_123 : memref<10240x128xf32, #tpu.memory_space<hbm>>) target(%arg9 : memref<64x128xf32, #tpu.memory_space<vmem>>) offsets(%dma_start3A_120 : memref<64xi32, #tpu.memory_space<vmem>>) semaphore(%arg12 : memref<!tpu.dma_semaphore, #tpu.memory_space<semaphore_mem>>)
        } else {
        }
        %add3A_114 = arith.constant 1 : i32
        %add3A_115 = arith.addi %mul3A_87, %add3A_114 : i32
        "tpu.region"() ({
          %run_scoped3A = tpu.sem_alloc : memref<!tpu.dma_semaphore, #tpu.memory_space<semaphore_mem>>
          %dma_start3A_116 = arith.constant 0 : i32
          %dma_start3A_117 = tpu.memref_slice %arg8[%add3A_115, %dma_start3A_116] : memref<80x64xi32, #tpu.memory_space<vmem>> -> memref<1x64xi32, #tpu.memory_space<vmem>>
          %dma_start3A_118 = tpu.memref_squeeze %dma_start3A_117 : memref<1x64xi32, #tpu.memory_space<vmem>> -> memref<64xi32, #tpu.memory_space<vmem>>
          %dma_start3A_119 = arith.constant 0 : i32
          %dma_start3A_120 = arith.constant 0 : i32
          %dma_start3A_121 = tpu.memref_slice %arg11[%dma_start3A_119, %dma_start3A_120] : memref<10240x128xf32, #tpu.memory_space<vmem_shared>> -> memref<10240x128xf32, #tpu.memory_space<vmem_shared>>
          tpu.enqueue_indirect_dma source(%arg10 : memref<64x128xf32, #tpu.memory_space<vmem>>) target(%dma_start3A_121 : memref<10240x128xf32, #tpu.memory_space<vmem_shared>>) offsets(%dma_start3A_118 : memref<64xi32, #tpu.memory_space<vmem>>) semaphore(%run_scoped3A : memref<!tpu.dma_semaphore, #tpu.memory_space<semaphore_mem>>) {add = true}
          %dma_wait3A_122 = arith.constant 0 : i32
          %dma_wait3A_123 = tpu.memref_slice %arg8[%add3A_115, %dma_wait3A_122] : memref<80x64xi32, #tpu.memory_space<vmem>> -> memref<1x64xi32, #tpu.memory_space<vmem>>
          %dma_wait3A_124 = tpu.memref_squeeze %dma_wait3A_123 : memref<1x64xi32, #tpu.memory_space<vmem>> -> memref<64xi32, #tpu.memory_space<vmem>>
          %dma_wait3A_125 = arith.constant 0 : i32
          %dma_wait3A_126 = arith.constant 0 : i32
          %dma_wait3A_127 = tpu.memref_slice %arg11[%dma_wait3A_125, %dma_wait3A_126] : memref<10240x128xf32, #tpu.memory_space<vmem_shared>> -> memref<10240x128xf32, #tpu.memory_space<vmem_shared>>
          tpu.wait_indirect_dma semaphore(%run_scoped3A : memref<!tpu.dma_semaphore, #tpu.memory_space<semaphore_mem>>) src(%arg10 : memref<64x128xf32, #tpu.memory_space<vmem>>) dst(%dma_wait3A_127 : memref<10240x128xf32, #tpu.memory_space<vmem_shared>>)
          tpu.yield
        }) : () -> ()
      }
      %while3A_84 = arith.constant 1 : i32
      scf.for %while3A_85 = %while3A_82 to %while3A_78 step %while3A_84  : i32 {
        %mul3A_86 = arith.constant 2 : i32
        %mul3A_87 = arith.muli %mul3A_86, %while3A_85 : i32
        %dma_wait3A = arith.constant 0 : i32
        %dma_wait3A_88 = tpu.memref_slice %arg7[%mul3A_87, %dma_wait3A] : memref<80x64xi32, #tpu.memory_space<vmem>> -> memref<1x64xi32, #tpu.memory_space<vmem>>
        %dma_wait3A_89 = tpu.memref_squeeze %dma_wait3A_88 : memref<1x64xi32, #tpu.memory_space<vmem>> -> memref<64xi32, #tpu.memory_space<vmem>>
        %dma_wait3A_90 = arith.constant 0 : i32
        %dma_wait3A_91 = arith.constant 0 : i32
        %dma_wait3A_92 = tpu.memref_slice %arg2[%dma_wait3A_90, %dma_wait3A_91] : memref<10240x128xf32, #tpu.memory_space<hbm>> -> memref<10240x128xf32, #tpu.memory_space<hbm>>
        tpu.wait_indirect_dma semaphore(%arg12 : memref<!tpu.dma_semaphore, #tpu.memory_space<semaphore_mem>>) src(%dma_wait3A_92 : memref<10240x128xf32, #tpu.memory_space<hbm>>) dst(%arg9 : memref<64x128xf32, #tpu.memory_space<vmem>>)
        %add3A_93 = arith.constant 1 : i32
        %add3A_94 = arith.addi %mul3A_87, %add3A_93 : i32
        %dma_start3A_95 = arith.constant 0 : i32
        %dma_start3A_96 = tpu.memref_slice %arg7[%add3A_94, %dma_start3A_95] : memref<80x64xi32, #tpu.memory_space<vmem>> -> memref<1x64xi32, #tpu.memory_space<vmem>>
        %dma_start3A_97 = tpu.memref_squeeze %dma_start3A_96 : memref<1x64xi32, #tpu.memory_space<vmem>> -> memref<64xi32, #tpu.memory_space<vmem>>
        %dma_start3A_98 = arith.constant 0 : i32
        %dma_start3A_99 = arith.constant 0 : i32
        %dma_start3A_100 = tpu.memref_slice %arg2[%dma_start3A_98, %dma_start3A_99] : memref<10240x128xf32, #tpu.memory_space<hbm>> -> memref<10240x128xf32, #tpu.memory_space<hbm>>
        tpu.enqueue_indirect_dma source(%dma_start3A_100 : memref<10240x128xf32, #tpu.memory_space<hbm>>) target(%arg10 : memref<64x128xf32, #tpu.memory_space<vmem>>) offsets(%dma_start3A_97 : memref<64xi32, #tpu.memory_space<vmem>>) semaphore(%arg13 : memref<!tpu.dma_semaphore, #tpu.memory_space<semaphore_mem>>)
        "tpu.region"() ({
          %run_scoped3A = tpu.sem_alloc : memref<!tpu.dma_semaphore, #tpu.memory_space<semaphore_mem>>
          %dma_start3A_116 = arith.constant 0 : i32
          %dma_start3A_117 = tpu.memref_slice %arg8[%mul3A_87, %dma_start3A_116] : memref<80x64xi32, #tpu.memory_space<vmem>> -> memref<1x64xi32, #tpu.memory_space<vmem>>
          %dma_start3A_118 = tpu.memref_squeeze %dma_start3A_117 : memref<1x64xi32, #tpu.memory_space<vmem>> -> memref<64xi32, #tpu.memory_space<vmem>>
          %dma_start3A_119 = arith.constant 0 : i32
          %dma_start3A_120 = arith.constant 0 : i32
          %dma_start3A_121 = tpu.memref_slice %arg11[%dma_start3A_119, %dma_start3A_120] : memref<10240x128xf32, #tpu.memory_space<vmem_shared>> -> memref<10240x128xf32, #tpu.memory_space<vmem_shared>>
          tpu.enqueue_indirect_dma source(%arg9 : memref<64x128xf32, #tpu.memory_space<vmem>>) target(%dma_start3A_121 : memref<10240x128xf32, #tpu.memory_space<vmem_shared>>) offsets(%dma_start3A_118 : memref<64xi32, #tpu.memory_space<vmem>>) semaphore(%run_scoped3A : memref<!tpu.dma_semaphore, #tpu.memory_space<semaphore_mem>>) {add = true}
          %dma_wait3A_122 = arith.constant 0 : i32
          %dma_wait3A_123 = tpu.memref_slice %arg8[%mul3A_87, %dma_wait3A_122] : memref<80x64xi32, #tpu.memory_space<vmem>> -> memref<1x64xi32, #tpu.memory_space<vmem>>
          %dma_wait3A_124 = tpu.memref_squeeze %dma_wait3A_123 : memref<1x64xi32, #tpu.memory_space<vmem>> -> memref<64xi32, #tpu.memory_space<vmem>>
          %dma_wait3A_125 = arith.constant 0 : i32
          %dma_wait3A_126 = arith.constant 0 : i32
          %dma_wait3A_127 = tpu.memref_slice %arg11[%dma_wait3A_125, %dma_wait3A_126] : memref<10240x128xf32, #tpu.memory_space<vmem_shared>> -> memref<10240x128xf32, #tpu.memory_space<vmem_shared>>
          tpu.wait_indirect_dma semaphore(%run_scoped3A : memref<!tpu.dma_semaphore, #tpu.memory_space<semaphore_mem>>) src(%arg9 : memref<64x128xf32, #tpu.memory_space<vmem>>) dst(%dma_wait3A_127 : memref<10240x128xf32, #tpu.memory_space<vmem_shared>>)
          tpu.yield
        }) : () -> ()
        %add3A_101 = arith.constant 1 : i32
        %add3A_102 = arith.addi %mul3A_87, %add3A_101 : i32
        %dma_wait3A_103 = arith.constant 0 : i32
        %dma_wait3A_104 = tpu.memref_slice %arg7[%add3A_102, %dma_wait3A_103] : memref<80x64xi32, #tpu.memory_space<vmem>> -> memref<1x64xi32, #tpu.memory_space<vmem>>
        %dma_wait3A_105 = tpu.memref_squeeze %dma_wait3A_104 : memref<1x64xi32, #tpu.memory_space<vmem>> -> memref<64xi32, #tpu.memory_space<vmem>>
        %dma_wait3A_106 = arith.constant 0 : i32
        %dma_wait3A_107 = arith.constant 0 : i32
        %dma_wait3A_108 = tpu.memref_slice %arg2[%dma_wait3A_106, %dma_wait3A_107] : memref<10240x128xf32, #tpu.memory_space<hbm>> -> memref<10240x128xf32, #tpu.memory_space<hbm>>
        tpu.wait_indirect_dma semaphore(%arg13 : memref<!tpu.dma_semaphore, #tpu.memory_space<semaphore_mem>>) src(%dma_wait3A_108 : memref<10240x128xf32, #tpu.memory_space<hbm>>) dst(%arg10 : memref<64x128xf32, #tpu.memory_space<vmem>>)
        %add3A_109 = arith.constant 2 : i32
        %add3A_110 = arith.addi %mul3A_87, %add3A_109 : i32
        %lt3A = arith.cmpi slt, %add3A_110, %select_n3A_19 : i32
        %convert_element_type3A_111 = arith.extui %lt3A : i1 to i32
        %cond3A_112 = arith.constant 0 : i32
        %cond3A_113 = arith.cmpi ne, %convert_element_type3A_111, %cond3A_112 : i32
        scf.if %cond3A_113 {
          %add3A_116 = arith.constant 2 : i32
          %add3A_117 = arith.addi %mul3A_87, %add3A_116 : i32
          %dma_start3A_118 = arith.constant 0 : i32
          %dma_start3A_119 = tpu.memref_slice %arg7[%add3A_117, %dma_start3A_118] : memref<80x64xi32, #tpu.memory_space<vmem>> -> memref<1x64xi32, #tpu.memory_space<vmem>>
          %dma_start3A_120 = tpu.memref_squeeze %dma_start3A_119 : memref<1x64xi32, #tpu.memory_space<vmem>> -> memref<64xi32, #tpu.memory_space<vmem>>
          %dma_start3A_121 = arith.constant 0 : i32
          %dma_start3A_122 = arith.constant 0 : i32
          %dma_start3A_123 = tpu.memref_slice %arg2[%dma_start3A_121, %dma_start3A_122] : memref<10240x128xf32, #tpu.memory_space<hbm>> -> memref<10240x128xf32, #tpu.memory_space<hbm>>
          tpu.enqueue_indirect_dma source(%dma_start3A_123 : memref<10240x128xf32, #tpu.memory_space<hbm>>) target(%arg9 : memref<64x128xf32, #tpu.memory_space<vmem>>) offsets(%dma_start3A_120 : memref<64xi32, #tpu.memory_space<vmem>>) semaphore(%arg12 : memref<!tpu.dma_semaphore, #tpu.memory_space<semaphore_mem>>)
        } else {
        }
        %add3A_114 = arith.constant 1 : i32
        %add3A_115 = arith.addi %mul3A_87, %add3A_114 : i32
        "tpu.region"() ({
          %run_scoped3A = tpu.sem_alloc : memref<!tpu.dma_semaphore, #tpu.memory_space<semaphore_mem>>
          %dma_start3A_116 = arith.constant 0 : i32
          %dma_start3A_117 = tpu.memref_slice %arg8[%add3A_115, %dma_start3A_116] : memref<80x64xi32, #tpu.memory_space<vmem>> -> memref<1x64xi32, #tpu.memory_space<vmem>>
          %dma_start3A_118 = tpu.memref_squeeze %dma_start3A_117 : memref<1x64xi32, #tpu.memory_space<vmem>> -> memref<64xi32, #tpu.memory_space<vmem>>
          %dma_start3A_119 = arith.constant 0 : i32
          %dma_start3A_120 = arith.constant 0 : i32
          %dma_start3A_121 = tpu.memref_slice %arg11[%dma_start3A_119, %dma_start3A_120] : memref<10240x128xf32, #tpu.memory_space<vmem_shared>> -> memref<10240x128xf32, #tpu.memory_space<vmem_shared>>
          tpu.enqueue_indirect_dma source(%arg10 : memref<64x128xf32, #tpu.memory_space<vmem>>) target(%dma_start3A_121 : memref<10240x128xf32, #tpu.memory_space<vmem_shared>>) offsets(%dma_start3A_118 : memref<64xi32, #tpu.memory_space<vmem>>) semaphore(%run_scoped3A : memref<!tpu.dma_semaphore, #tpu.memory_space<semaphore_mem>>) {add = true}
          %dma_wait3A_122 = arith.constant 0 : i32
          %dma_wait3A_123 = tpu.memref_slice %arg8[%add3A_115, %dma_wait3A_122] : memref<80x64xi32, #tpu.memory_space<vmem>> -> memref<1x64xi32, #tpu.memory_space<vmem>>
          %dma_wait3A_124 = tpu.memref_squeeze %dma_wait3A_123 : memref<1x64xi32, #tpu.memory_space<vmem>> -> memref<64xi32, #tpu.memory_space<vmem>>
          %dma_wait3A_125 = arith.constant 0 : i32
          %dma_wait3A_126 = arith.constant 0 : i32
          %dma_wait3A_127 = tpu.memref_slice %arg11[%dma_wait3A_125, %dma_wait3A_126] : memref<10240x128xf32, #tpu.memory_space<vmem_shared>> -> memref<10240x128xf32, #tpu.memory_space<vmem_shared>>
          tpu.wait_indirect_dma semaphore(%run_scoped3A : memref<!tpu.dma_semaphore, #tpu.memory_space<semaphore_mem>>) src(%arg10 : memref<64x128xf32, #tpu.memory_space<vmem>>) dst(%dma_wait3A_127 : memref<10240x128xf32, #tpu.memory_space<vmem_shared>>)
          tpu.yield
        }) : () -> ()
      }
    } else {
    }
    %eq3A_25 = arith.constant 0 : i32
    %eq3A_26 = arith.cmpi eq, %arg0, %eq3A_25 : i32
    %jit3A_27 = arith.constant 64 : i32
    %jit3A_28 = arith.constant 0 : i32
    %select_n3A_29 = arith.select %eq3A_26, %jit3A_27, %jit3A_28 : i32
    %gt3A_30 = arith.constant 0 : i32
    %gt3A_31 = arith.cmpi sgt, %select_n3A_29, %gt3A_30 : i32
    %convert_element_type3A_32 = arith.extui %gt3A_31 : i1 to i32
    %cond3A_33 = arith.constant 0 : i32
    %cond3A_34 = arith.cmpi ne, %convert_element_type3A_32, %cond3A_33 : i32
    scf.if %cond3A_34 {
      %eq3A_40 = arith.constant 0 : i32
      %eq3A_41 = arith.cmpi eq, %arg0, %eq3A_40 : i32
      %mul3A_42 = arith.constant 304 : i32
      %mul3A_43 = arith.muli %arg1, %mul3A_42 : i32
      %add3A = arith.constant 240 : i32
      %add3A_44 = arith.addi %mul3A_43, %add3A : i32
      %mul3A_45 = arith.constant 16 : i32
      %mul3A_46 = arith.muli %arg1, %mul3A_45 : i32
      %add3A_47 = arith.constant 4864 : i32
      %add3A_48 = arith.addi %add3A_47, %mul3A_46 : i32
      %add3A_49 = arith.constant 16 : i32
      %add3A_50 = arith.addi %add3A_48, %add3A_49 : i32
      %select_n3A_51 = arith.select %eq3A_41, %add3A_44, %add3A_50 : i32
      "tpu.region"() ({
        %run_scoped3A = tpu.sem_alloc : memref<!tpu.dma_semaphore, #tpu.memory_space<semaphore_mem>>
        %dma_start3A_85 = arith.constant 0 : i32
        %dma_start3A_86 = tpu.memref_slice %arg3[%select_n3A_51, %dma_start3A_85] : memref<5200x64xi32, #tpu.memory_space<hbm>> -> memref<80x64xi32, #tpu.memory_space<hbm>>
        %dma_start3A_87 = arith.constant 0 : i32
        %dma_start3A_88 = tpu.memref_slice %arg3[%select_n3A_51, %dma_start3A_87] : memref<5200x64xi32, #tpu.memory_space<hbm>> -> memref<80x64xi32, #tpu.memory_space<hbm>>
        tpu.enqueue_dma source(%dma_start3A_88 : memref<80x64xi32, #tpu.memory_space<hbm>>) target(%arg7 : memref<80x64xi32, #tpu.memory_space<vmem>>) target_semaphore(%run_scoped3A : memref<!tpu.dma_semaphore, #tpu.memory_space<semaphore_mem>>)
        %dma_wait3A = arith.constant 0 : i32
        %dma_wait3A_89 = tpu.memref_slice %arg3[%select_n3A_51, %dma_wait3A] : memref<5200x64xi32, #tpu.memory_space<hbm>> -> memref<80x64xi32, #tpu.memory_space<hbm>>
        %dma_wait3A_90 = arith.constant 0 : i32
        %dma_wait3A_91 = tpu.memref_slice %arg3[%select_n3A_51, %dma_wait3A_90] : memref<5200x64xi32, #tpu.memory_space<hbm>> -> memref<80x64xi32, #tpu.memory_space<hbm>>
        tpu.wait_dma2 semaphore(%run_scoped3A : memref<!tpu.dma_semaphore, #tpu.memory_space<semaphore_mem>>) src(%dma_wait3A_91 : memref<80x64xi32, #tpu.memory_space<hbm>>) dst(%arg7 : memref<80x64xi32, #tpu.memory_space<vmem>>)
        tpu.yield
      }) : () -> ()
      "tpu.region"() ({
        %run_scoped3A = tpu.sem_alloc : memref<!tpu.dma_semaphore, #tpu.memory_space<semaphore_mem>>
        %dma_start3A_85 = arith.constant 0 : i32
        %dma_start3A_86 = tpu.memref_slice %arg4[%select_n3A_51, %dma_start3A_85] : memref<5200x64xi32, #tpu.memory_space<hbm>> -> memref<80x64xi32, #tpu.memory_space<hbm>>
        %dma_start3A_87 = arith.constant 0 : i32
        %dma_start3A_88 = tpu.memref_slice %arg4[%select_n3A_51, %dma_start3A_87] : memref<5200x64xi32, #tpu.memory_space<hbm>> -> memref<80x64xi32, #tpu.memory_space<hbm>>
        tpu.enqueue_dma source(%dma_start3A_88 : memref<80x64xi32, #tpu.memory_space<hbm>>) target(%arg8 : memref<80x64xi32, #tpu.memory_space<vmem>>) target_semaphore(%run_scoped3A : memref<!tpu.dma_semaphore, #tpu.memory_space<semaphore_mem>>)
        %dma_wait3A = arith.constant 0 : i32
        %dma_wait3A_89 = tpu.memref_slice %arg4[%select_n3A_51, %dma_wait3A] : memref<5200x64xi32, #tpu.memory_space<hbm>> -> memref<80x64xi32, #tpu.memory_space<hbm>>
        %dma_wait3A_90 = arith.constant 0 : i32
        %dma_wait3A_91 = tpu.memref_slice %arg4[%select_n3A_51, %dma_wait3A_90] : memref<5200x64xi32, #tpu.memory_space<hbm>> -> memref<80x64xi32, #tpu.memory_space<hbm>>
        tpu.wait_dma2 semaphore(%run_scoped3A : memref<!tpu.dma_semaphore, #tpu.memory_space<semaphore_mem>>) src(%dma_wait3A_91 : memref<80x64xi32, #tpu.memory_space<hbm>>) dst(%arg8 : memref<80x64xi32, #tpu.memory_space<vmem>>)
        tpu.yield
      }) : () -> ()
      %dma_start3A = arith.constant 0 : i32
      %dma_start3A_52 = arith.constant 0 : i32
      %dma_start3A_53 = tpu.memref_slice %arg7[%dma_start3A, %dma_start3A_52] : memref<80x64xi32, #tpu.memory_space<vmem>> -> memref<1x64xi32, #tpu.memory_space<vmem>>
      %dma_start3A_54 = tpu.memref_squeeze %dma_start3A_53 : memref<1x64xi32, #tpu.memory_space<vmem>> -> memref<64xi32, #tpu.memory_space<vmem>>
      %dma_start3A_55 = arith.constant 0 : i32
      %dma_start3A_56 = arith.constant 0 : i32
      %dma_start3A_57 = tpu.memref_slice %arg2[%dma_start3A_55, %dma_start3A_56] : memref<10240x128xf32, #tpu.memory_space<hbm>> -> memref<10240x128xf32, #tpu.memory_space<hbm>>
      tpu.enqueue_indirect_dma source(%dma_start3A_57 : memref<10240x128xf32, #tpu.memory_space<hbm>>) target(%arg9 : memref<64x128xf32, #tpu.memory_space<vmem>>) offsets(%dma_start3A_54 : memref<64xi32, #tpu.memory_space<vmem>>) semaphore(%arg12 : memref<!tpu.dma_semaphore, #tpu.memory_space<semaphore_mem>>)
      %jit3A_58 = arith.constant 2 : i32
      %div3A = arith.divsi %select_n3A_29, %jit3A_58 : i32
      %sign3A = arith.constant 0 : i32
      %sign3A_59 = arith.cmpi sgt, %select_n3A_29, %sign3A : i32
      %sign3A_60 = arith.extui %sign3A_59 : i1 to i32
      %sign3A_61 = arith.constant 0 : i32
      %sign3A_62 = arith.cmpi slt, %select_n3A_29, %sign3A_61 : i32
      %sign3A_63 = arith.extui %sign3A_62 : i1 to i32
      %sign3A_64 = arith.subi %sign3A_60, %sign3A_63 : i32
      %sign3A_65 = arith.constant 0 : i32
      %sign3A_66 = arith.cmpi sgt, %jit3A_58, %sign3A_65 : i32
      %sign3A_67 = arith.extui %sign3A_66 : i1 to i32
      %sign3A_68 = arith.constant 0 : i32
      %sign3A_69 = arith.cmpi slt, %jit3A_58, %sign3A_68 : i32
      %sign3A_70 = arith.extui %sign3A_69 : i1 to i32
      %sign3A_71 = arith.subi %sign3A_67, %sign3A_70 : i32
      %ne3A = arith.cmpi ne, %sign3A_64, %sign3A_71 : i32
      %rem3A = arith.remsi %select_n3A_29, %jit3A_58 : i32
      %ne3A_72 = arith.constant 0 : i32
      %ne3A_73 = arith.cmpi ne, %rem3A, %ne3A_72 : i32
      %and3A = arith.andi %ne3A, %ne3A_73 : i1
      %sub3A = arith.constant 1 : i32
      %sub3A_74 = arith.subi %div3A, %sub3A : i32
      %select_n3A_75 = arith.select %and3A, %sub3A_74, %div3A : i32
      %while3A = arith.constant 0 : i32
      %while3A_76 = arith.constant 0 : i32
      %while3A_77 = arith.subi %select_n3A_75, %while3A_76 : i32
      %while3A_78 = arith.addi %while3A_76, %while3A_77 : i32
      %while3A_79 = arith.constant 1 : i32
      %while3A_80 = arith.divsi %while3A_77, %while3A_79 : i32
      %while3A_81 = arith.muli %while3A_80, %while3A_79 : i32
      %while3A_82 = arith.addi %while3A_76, %while3A_81 : i32
      %while3A_83 = arith.constant 1 : i32
      scf.for %while3A_85 = %while3A_76 to %while3A_82 step %while3A_83  : i32 {
        %mul3A_86 = arith.constant 2 : i32
        %mul3A_87 = arith.muli %mul3A_86, %while3A_85 : i32
        %dma_wait3A = arith.constant 0 : i32
        %dma_wait3A_88 = tpu.memref_slice %arg7[%mul3A_87, %dma_wait3A] : memref<80x64xi32, #tpu.memory_space<vmem>> -> memref<1x64xi32, #tpu.memory_space<vmem>>
        %dma_wait3A_89 = tpu.memref_squeeze %dma_wait3A_88 : memref<1x64xi32, #tpu.memory_space<vmem>> -> memref<64xi32, #tpu.memory_space<vmem>>
        %dma_wait3A_90 = arith.constant 0 : i32
        %dma_wait3A_91 = arith.constant 0 : i32
        %dma_wait3A_92 = tpu.memref_slice %arg2[%dma_wait3A_90, %dma_wait3A_91] : memref<10240x128xf32, #tpu.memory_space<hbm>> -> memref<10240x128xf32, #tpu.memory_space<hbm>>
        tpu.wait_indirect_dma semaphore(%arg12 : memref<!tpu.dma_semaphore, #tpu.memory_space<semaphore_mem>>) src(%dma_wait3A_92 : memref<10240x128xf32, #tpu.memory_space<hbm>>) dst(%arg9 : memref<64x128xf32, #tpu.memory_space<vmem>>)
        %add3A_93 = arith.constant 1 : i32
        %add3A_94 = arith.addi %mul3A_87, %add3A_93 : i32
        %dma_start3A_95 = arith.constant 0 : i32
        %dma_start3A_96 = tpu.memref_slice %arg7[%add3A_94, %dma_start3A_95] : memref<80x64xi32, #tpu.memory_space<vmem>> -> memref<1x64xi32, #tpu.memory_space<vmem>>
        %dma_start3A_97 = tpu.memref_squeeze %dma_start3A_96 : memref<1x64xi32, #tpu.memory_space<vmem>> -> memref<64xi32, #tpu.memory_space<vmem>>
        %dma_start3A_98 = arith.constant 0 : i32
        %dma_start3A_99 = arith.constant 0 : i32
        %dma_start3A_100 = tpu.memref_slice %arg2[%dma_start3A_98, %dma_start3A_99] : memref<10240x128xf32, #tpu.memory_space<hbm>> -> memref<10240x128xf32, #tpu.memory_space<hbm>>
        tpu.enqueue_indirect_dma source(%dma_start3A_100 : memref<10240x128xf32, #tpu.memory_space<hbm>>) target(%arg10 : memref<64x128xf32, #tpu.memory_space<vmem>>) offsets(%dma_start3A_97 : memref<64xi32, #tpu.memory_space<vmem>>) semaphore(%arg13 : memref<!tpu.dma_semaphore, #tpu.memory_space<semaphore_mem>>)
        "tpu.region"() ({
          %run_scoped3A = tpu.sem_alloc : memref<!tpu.dma_semaphore, #tpu.memory_space<semaphore_mem>>
          %dma_start3A_116 = arith.constant 0 : i32
          %dma_start3A_117 = tpu.memref_slice %arg8[%mul3A_87, %dma_start3A_116] : memref<80x64xi32, #tpu.memory_space<vmem>> -> memref<1x64xi32, #tpu.memory_space<vmem>>
          %dma_start3A_118 = tpu.memref_squeeze %dma_start3A_117 : memref<1x64xi32, #tpu.memory_space<vmem>> -> memref<64xi32, #tpu.memory_space<vmem>>
          %dma_start3A_119 = arith.constant 0 : i32
          %dma_start3A_120 = arith.constant 0 : i32
          %dma_start3A_121 = tpu.memref_slice %arg11[%dma_start3A_119, %dma_start3A_120] : memref<10240x128xf32, #tpu.memory_space<vmem_shared>> -> memref<10240x128xf32, #tpu.memory_space<vmem_shared>>
          tpu.enqueue_indirect_dma source(%arg9 : memref<64x128xf32, #tpu.memory_space<vmem>>) target(%dma_start3A_121 : memref<10240x128xf32, #tpu.memory_space<vmem_shared>>) offsets(%dma_start3A_118 : memref<64xi32, #tpu.memory_space<vmem>>) semaphore(%run_scoped3A : memref<!tpu.dma_semaphore, #tpu.memory_space<semaphore_mem>>) {add = true}
          %dma_wait3A_122 = arith.constant 0 : i32
          %dma_wait3A_123 = tpu.memref_slice %arg8[%mul3A_87, %dma_wait3A_122] : memref<80x64xi32, #tpu.memory_space<vmem>> -> memref<1x64xi32, #tpu.memory_space<vmem>>
          %dma_wait3A_124 = tpu.memref_squeeze %dma_wait3A_123 : memref<1x64xi32, #tpu.memory_space<vmem>> -> memref<64xi32, #tpu.memory_space<vmem>>
          %dma_wait3A_125 = arith.constant 0 : i32
          %dma_wait3A_126 = arith.constant 0 : i32
          %dma_wait3A_127 = tpu.memref_slice %arg11[%dma_wait3A_125, %dma_wait3A_126] : memref<10240x128xf32, #tpu.memory_space<vmem_shared>> -> memref<10240x128xf32, #tpu.memory_space<vmem_shared>>
          tpu.wait_indirect_dma semaphore(%run_scoped3A : memref<!tpu.dma_semaphore, #tpu.memory_space<semaphore_mem>>) src(%arg9 : memref<64x128xf32, #tpu.memory_space<vmem>>) dst(%dma_wait3A_127 : memref<10240x128xf32, #tpu.memory_space<vmem_shared>>)
          tpu.yield
        }) : () -> ()
        %add3A_101 = arith.constant 1 : i32
        %add3A_102 = arith.addi %mul3A_87, %add3A_101 : i32
        %dma_wait3A_103 = arith.constant 0 : i32
        %dma_wait3A_104 = tpu.memref_slice %arg7[%add3A_102, %dma_wait3A_103] : memref<80x64xi32, #tpu.memory_space<vmem>> -> memref<1x64xi32, #tpu.memory_space<vmem>>
        %dma_wait3A_105 = tpu.memref_squeeze %dma_wait3A_104 : memref<1x64xi32, #tpu.memory_space<vmem>> -> memref<64xi32, #tpu.memory_space<vmem>>
        %dma_wait3A_106 = arith.constant 0 : i32
        %dma_wait3A_107 = arith.constant 0 : i32
        %dma_wait3A_108 = tpu.memref_slice %arg2[%dma_wait3A_106, %dma_wait3A_107] : memref<10240x128xf32, #tpu.memory_space<hbm>> -> memref<10240x128xf32, #tpu.memory_space<hbm>>
        tpu.wait_indirect_dma semaphore(%arg13 : memref<!tpu.dma_semaphore, #tpu.memory_space<semaphore_mem>>) src(%dma_wait3A_108 : memref<10240x128xf32, #tpu.memory_space<hbm>>) dst(%arg10 : memref<64x128xf32, #tpu.memory_space<vmem>>)
        %add3A_109 = arith.constant 2 : i32
        %add3A_110 = arith.addi %mul3A_87, %add3A_109 : i32
        %lt3A = arith.cmpi slt, %add3A_110, %select_n3A_29 : i32
        %convert_element_type3A_111 = arith.extui %lt3A : i1 to i32
        %cond3A_112 = arith.constant 0 : i32
        %cond3A_113 = arith.cmpi ne, %convert_element_type3A_111, %cond3A_112 : i32
        scf.if %cond3A_113 {
          %add3A_116 = arith.constant 2 : i32
          %add3A_117 = arith.addi %mul3A_87, %add3A_116 : i32
          %dma_start3A_118 = arith.constant 0 : i32
          %dma_start3A_119 = tpu.memref_slice %arg7[%add3A_117, %dma_start3A_118] : memref<80x64xi32, #tpu.memory_space<vmem>> -> memref<1x64xi32, #tpu.memory_space<vmem>>
          %dma_start3A_120 = tpu.memref_squeeze %dma_start3A_119 : memref<1x64xi32, #tpu.memory_space<vmem>> -> memref<64xi32, #tpu.memory_space<vmem>>
          %dma_start3A_121 = arith.constant 0 : i32
          %dma_start3A_122 = arith.constant 0 : i32
          %dma_start3A_123 = tpu.memref_slice %arg2[%dma_start3A_121, %dma_start3A_122] : memref<10240x128xf32, #tpu.memory_space<hbm>> -> memref<10240x128xf32, #tpu.memory_space<hbm>>
          tpu.enqueue_indirect_dma source(%dma_start3A_123 : memref<10240x128xf32, #tpu.memory_space<hbm>>) target(%arg9 : memref<64x128xf32, #tpu.memory_space<vmem>>) offsets(%dma_start3A_120 : memref<64xi32, #tpu.memory_space<vmem>>) semaphore(%arg12 : memref<!tpu.dma_semaphore, #tpu.memory_space<semaphore_mem>>)
        } else {
        }
        %add3A_114 = arith.constant 1 : i32
        %add3A_115 = arith.addi %mul3A_87, %add3A_114 : i32
        "tpu.region"() ({
          %run_scoped3A = tpu.sem_alloc : memref<!tpu.dma_semaphore, #tpu.memory_space<semaphore_mem>>
          %dma_start3A_116 = arith.constant 0 : i32
          %dma_start3A_117 = tpu.memref_slice %arg8[%add3A_115, %dma_start3A_116] : memref<80x64xi32, #tpu.memory_space<vmem>> -> memref<1x64xi32, #tpu.memory_space<vmem>>
          %dma_start3A_118 = tpu.memref_squeeze %dma_start3A_117 : memref<1x64xi32, #tpu.memory_space<vmem>> -> memref<64xi32, #tpu.memory_space<vmem>>
          %dma_start3A_119 = arith.constant 0 : i32
          %dma_start3A_120 = arith.constant 0 : i32
          %dma_start3A_121 = tpu.memref_slice %arg11[%dma_start3A_119, %dma_start3A_120] : memref<10240x128xf32, #tpu.memory_space<vmem_shared>> -> memref<10240x128xf32, #tpu.memory_space<vmem_shared>>
          tpu.enqueue_indirect_dma source(%arg10 : memref<64x128xf32, #tpu.memory_space<vmem>>) target(%dma_start3A_121 : memref<10240x128xf32, #tpu.memory_space<vmem_shared>>) offsets(%dma_start3A_118 : memref<64xi32, #tpu.memory_space<vmem>>) semaphore(%run_scoped3A : memref<!tpu.dma_semaphore, #tpu.memory_space<semaphore_mem>>) {add = true}
          %dma_wait3A_122 = arith.constant 0 : i32
          %dma_wait3A_123 = tpu.memref_slice %arg8[%add3A_115, %dma_wait3A_122] : memref<80x64xi32, #tpu.memory_space<vmem>> -> memref<1x64xi32, #tpu.memory_space<vmem>>
          %dma_wait3A_124 = tpu.memref_squeeze %dma_wait3A_123 : memref<1x64xi32, #tpu.memory_space<vmem>> -> memref<64xi32, #tpu.memory_space<vmem>>
          %dma_wait3A_125 = arith.constant 0 : i32
          %dma_wait3A_126 = arith.constant 0 : i32
          %dma_wait3A_127 = tpu.memref_slice %arg11[%dma_wait3A_125, %dma_wait3A_126] : memref<10240x128xf32, #tpu.memory_space<vmem_shared>> -> memref<10240x128xf32, #tpu.memory_space<vmem_shared>>
          tpu.wait_indirect_dma semaphore(%run_scoped3A : memref<!tpu.dma_semaphore, #tpu.memory_space<semaphore_mem>>) src(%arg10 : memref<64x128xf32, #tpu.memory_space<vmem>>) dst(%dma_wait3A_127 : memref<10240x128xf32, #tpu.memory_space<vmem_shared>>)
          tpu.yield
        }) : () -> ()
      }
      %while3A_84 = arith.constant 1 : i32
      scf.for %while3A_85 = %while3A_82 to %while3A_78 step %while3A_84  : i32 {
        %mul3A_86 = arith.constant 2 : i32
        %mul3A_87 = arith.muli %mul3A_86, %while3A_85 : i32
        %dma_wait3A = arith.constant 0 : i32
        %dma_wait3A_88 = tpu.memref_slice %arg7[%mul3A_87, %dma_wait3A] : memref<80x64xi32, #tpu.memory_space<vmem>> -> memref<1x64xi32, #tpu.memory_space<vmem>>
        %dma_wait3A_89 = tpu.memref_squeeze %dma_wait3A_88 : memref<1x64xi32, #tpu.memory_space<vmem>> -> memref<64xi32, #tpu.memory_space<vmem>>
        %dma_wait3A_90 = arith.constant 0 : i32
        %dma_wait3A_91 = arith.constant 0 : i32
        %dma_wait3A_92 = tpu.memref_slice %arg2[%dma_wait3A_90, %dma_wait3A_91] : memref<10240x128xf32, #tpu.memory_space<hbm>> -> memref<10240x128xf32, #tpu.memory_space<hbm>>
        tpu.wait_indirect_dma semaphore(%arg12 : memref<!tpu.dma_semaphore, #tpu.memory_space<semaphore_mem>>) src(%dma_wait3A_92 : memref<10240x128xf32, #tpu.memory_space<hbm>>) dst(%arg9 : memref<64x128xf32, #tpu.memory_space<vmem>>)
        %add3A_93 = arith.constant 1 : i32
        %add3A_94 = arith.addi %mul3A_87, %add3A_93 : i32
        %dma_start3A_95 = arith.constant 0 : i32
        %dma_start3A_96 = tpu.memref_slice %arg7[%add3A_94, %dma_start3A_95] : memref<80x64xi32, #tpu.memory_space<vmem>> -> memref<1x64xi32, #tpu.memory_space<vmem>>
        %dma_start3A_97 = tpu.memref_squeeze %dma_start3A_96 : memref<1x64xi32, #tpu.memory_space<vmem>> -> memref<64xi32, #tpu.memory_space<vmem>>
        %dma_start3A_98 = arith.constant 0 : i32
        %dma_start3A_99 = arith.constant 0 : i32
        %dma_start3A_100 = tpu.memref_slice %arg2[%dma_start3A_98, %dma_start3A_99] : memref<10240x128xf32, #tpu.memory_space<hbm>> -> memref<10240x128xf32, #tpu.memory_space<hbm>>
        tpu.enqueue_indirect_dma source(%dma_start3A_100 : memref<10240x128xf32, #tpu.memory_space<hbm>>) target(%arg10 : memref<64x128xf32, #tpu.memory_space<vmem>>) offsets(%dma_start3A_97 : memref<64xi32, #tpu.memory_space<vmem>>) semaphore(%arg13 : memref<!tpu.dma_semaphore, #tpu.memory_space<semaphore_mem>>)
        "tpu.region"() ({
          %run_scoped3A = tpu.sem_alloc : memref<!tpu.dma_semaphore, #tpu.memory_space<semaphore_mem>>
          %dma_start3A_116 = arith.constant 0 : i32
          %dma_start3A_117 = tpu.memref_slice %arg8[%mul3A_87, %dma_start3A_116] : memref<80x64xi32, #tpu.memory_space<vmem>> -> memref<1x64xi32, #tpu.memory_space<vmem>>
          %dma_start3A_118 = tpu.memref_squeeze %dma_start3A_117 : memref<1x64xi32, #tpu.memory_space<vmem>> -> memref<64xi32, #tpu.memory_space<vmem>>
          %dma_start3A_119 = arith.constant 0 : i32
          %dma_start3A_120 = arith.constant 0 : i32
          %dma_start3A_121 = tpu.memref_slice %arg11[%dma_start3A_119, %dma_start3A_120] : memref<10240x128xf32, #tpu.memory_space<vmem_shared>> -> memref<10240x128xf32, #tpu.memory_space<vmem_shared>>
          tpu.enqueue_indirect_dma source(%arg9 : memref<64x128xf32, #tpu.memory_space<vmem>>) target(%dma_start3A_121 : memref<10240x128xf32, #tpu.memory_space<vmem_shared>>) offsets(%dma_start3A_118 : memref<64xi32, #tpu.memory_space<vmem>>) semaphore(%run_scoped3A : memref<!tpu.dma_semaphore, #tpu.memory_space<semaphore_mem>>) {add = true}
          %dma_wait3A_122 = arith.constant 0 : i32
          %dma_wait3A_123 = tpu.memref_slice %arg8[%mul3A_87, %dma_wait3A_122] : memref<80x64xi32, #tpu.memory_space<vmem>> -> memref<1x64xi32, #tpu.memory_space<vmem>>
          %dma_wait3A_124 = tpu.memref_squeeze %dma_wait3A_123 : memref<1x64xi32, #tpu.memory_space<vmem>> -> memref<64xi32, #tpu.memory_space<vmem>>
          %dma_wait3A_125 = arith.constant 0 : i32
          %dma_wait3A_126 = arith.constant 0 : i32
          %dma_wait3A_127 = tpu.memref_slice %arg11[%dma_wait3A_125, %dma_wait3A_126] : memref<10240x128xf32, #tpu.memory_space<vmem_shared>> -> memref<10240x128xf32, #tpu.memory_space<vmem_shared>>
          tpu.wait_indirect_dma semaphore(%run_scoped3A : memref<!tpu.dma_semaphore, #tpu.memory_space<semaphore_mem>>) src(%arg9 : memref<64x128xf32, #tpu.memory_space<vmem>>) dst(%dma_wait3A_127 : memref<10240x128xf32, #tpu.memory_space<vmem_shared>>)
          tpu.yield
        }) : () -> ()
        %add3A_101 = arith.constant 1 : i32
        %add3A_102 = arith.addi %mul3A_87, %add3A_101 : i32
        %dma_wait3A_103 = arith.constant 0 : i32
        %dma_wait3A_104 = tpu.memref_slice %arg7[%add3A_102, %dma_wait3A_103] : memref<80x64xi32, #tpu.memory_space<vmem>> -> memref<1x64xi32, #tpu.memory_space<vmem>>
        %dma_wait3A_105 = tpu.memref_squeeze %dma_wait3A_104 : memref<1x64xi32, #tpu.memory_space<vmem>> -> memref<64xi32, #tpu.memory_space<vmem>>
        %dma_wait3A_106 = arith.constant 0 : i32
        %dma_wait3A_107 = arith.constant 0 : i32
        %dma_wait3A_108 = tpu.memref_slice %arg2[%dma_wait3A_106, %dma_wait3A_107] : memref<10240x128xf32, #tpu.memory_space<hbm>> -> memref<10240x128xf32, #tpu.memory_space<hbm>>
        tpu.wait_indirect_dma semaphore(%arg13 : memref<!tpu.dma_semaphore, #tpu.memory_space<semaphore_mem>>) src(%dma_wait3A_108 : memref<10240x128xf32, #tpu.memory_space<hbm>>) dst(%arg10 : memref<64x128xf32, #tpu.memory_space<vmem>>)
        %add3A_109 = arith.constant 2 : i32
        %add3A_110 = arith.addi %mul3A_87, %add3A_109 : i32
        %lt3A = arith.cmpi slt, %add3A_110, %select_n3A_29 : i32
        %convert_element_type3A_111 = arith.extui %lt3A : i1 to i32
        %cond3A_112 = arith.constant 0 : i32
        %cond3A_113 = arith.cmpi ne, %convert_element_type3A_111, %cond3A_112 : i32
        scf.if %cond3A_113 {
          %add3A_116 = arith.constant 2 : i32
          %add3A_117 = arith.addi %mul3A_87, %add3A_116 : i32
          %dma_start3A_118 = arith.constant 0 : i32
          %dma_start3A_119 = tpu.memref_slice %arg7[%add3A_117, %dma_start3A_118] : memref<80x64xi32, #tpu.memory_space<vmem>> -> memref<1x64xi32, #tpu.memory_space<vmem>>
          %dma_start3A_120 = tpu.memref_squeeze %dma_start3A_119 : memref<1x64xi32, #tpu.memory_space<vmem>> -> memref<64xi32, #tpu.memory_space<vmem>>
          %dma_start3A_121 = arith.constant 0 : i32
          %dma_start3A_122 = arith.constant 0 : i32
          %dma_start3A_123 = tpu.memref_slice %arg2[%dma_start3A_121, %dma_start3A_122] : memref<10240x128xf32, #tpu.memory_space<hbm>> -> memref<10240x128xf32, #tpu.memory_space<hbm>>
          tpu.enqueue_indirect_dma source(%dma_start3A_123 : memref<10240x128xf32, #tpu.memory_space<hbm>>) target(%arg9 : memref<64x128xf32, #tpu.memory_space<vmem>>) offsets(%dma_start3A_120 : memref<64xi32, #tpu.memory_space<vmem>>) semaphore(%arg12 : memref<!tpu.dma_semaphore, #tpu.memory_space<semaphore_mem>>)
        } else {
        }
        %add3A_114 = arith.constant 1 : i32
        %add3A_115 = arith.addi %mul3A_87, %add3A_114 : i32
        "tpu.region"() ({
          %run_scoped3A = tpu.sem_alloc : memref<!tpu.dma_semaphore, #tpu.memory_space<semaphore_mem>>
          %dma_start3A_116 = arith.constant 0 : i32
          %dma_start3A_117 = tpu.memref_slice %arg8[%add3A_115, %dma_start3A_116] : memref<80x64xi32, #tpu.memory_space<vmem>> -> memref<1x64xi32, #tpu.memory_space<vmem>>
          %dma_start3A_118 = tpu.memref_squeeze %dma_start3A_117 : memref<1x64xi32, #tpu.memory_space<vmem>> -> memref<64xi32, #tpu.memory_space<vmem>>
          %dma_start3A_119 = arith.constant 0 : i32
          %dma_start3A_120 = arith.constant 0 : i32
          %dma_start3A_121 = tpu.memref_slice %arg11[%dma_start3A_119, %dma_start3A_120] : memref<10240x128xf32, #tpu.memory_space<vmem_shared>> -> memref<10240x128xf32, #tpu.memory_space<vmem_shared>>
          tpu.enqueue_indirect_dma source(%arg10 : memref<64x128xf32, #tpu.memory_space<vmem>>) target(%dma_start3A_121 : memref<10240x128xf32, #tpu.memory_space<vmem_shared>>) offsets(%dma_start3A_118 : memref<64xi32, #tpu.memory_space<vmem>>) semaphore(%run_scoped3A : memref<!tpu.dma_semaphore, #tpu.memory_space<semaphore_mem>>) {add = true}
          %dma_wait3A_122 = arith.constant 0 : i32
          %dma_wait3A_123 = tpu.memref_slice %arg8[%add3A_115, %dma_wait3A_122] : memref<80x64xi32, #tpu.memory_space<vmem>> -> memref<1x64xi32, #tpu.memory_space<vmem>>
          %dma_wait3A_124 = tpu.memref_squeeze %dma_wait3A_123 : memref<1x64xi32, #tpu.memory_space<vmem>> -> memref<64xi32, #tpu.memory_space<vmem>>
          %dma_wait3A_125 = arith.constant 0 : i32
          %dma_wait3A_126 = arith.constant 0 : i32
          %dma_wait3A_127 = tpu.memref_slice %arg11[%dma_wait3A_125, %dma_wait3A_126] : memref<10240x128xf32, #tpu.memory_space<vmem_shared>> -> memref<10240x128xf32, #tpu.memory_space<vmem_shared>>
          tpu.wait_indirect_dma semaphore(%run_scoped3A : memref<!tpu.dma_semaphore, #tpu.memory_space<semaphore_mem>>) src(%arg10 : memref<64x128xf32, #tpu.memory_space<vmem>>) dst(%dma_wait3A_127 : memref<10240x128xf32, #tpu.memory_space<vmem_shared>>)
          tpu.yield
        }) : () -> ()
      }
    } else {
    }
    %barrier3A_35 = arith.constant 0 : index
    tpu.barrier barrier_id(%barrier3A_35)
    %mul3A_36 = arith.constant 640 : i32
    %mul3A_37 = arith.muli %arg1, %mul3A_36 : i32
    %mul3A_38 = arith.constant 640 : i32
    %mul3A_39 = arith.muli %arg1, %mul3A_38 : i32
    "tpu.region"() ({
      %run_scoped3A = tpu.sem_alloc : memref<!tpu.dma_semaphore, #tpu.memory_space<semaphore_mem>>
      %dma_start3A = arith.constant 0 : i32
      %dma_start3A_40 = tpu.memref_slice %arg6[%arg0, %mul3A_39, %dma_start3A] : memref<2x10240x128xf32, #tpu.memory_space<hbm>> -> memref<1x640x128xf32, #tpu.memory_space<hbm>>
      %dma_start3A_41 = tpu.memref_squeeze %dma_start3A_40 : memref<1x640x128xf32, #tpu.memory_space<hbm>> -> memref<640x128xf32, #tpu.memory_space<hbm>>
      %dma_start3A_42 = arith.constant 0 : i32
      %dma_start3A_43 = tpu.memref_slice %arg11[%mul3A_37, %dma_start3A_42] : memref<10240x128xf32, #tpu.memory_space<vmem_shared>> -> memref<640x128xf32, #tpu.memory_space<vmem_shared>>
      tpu.enqueue_dma source(%dma_start3A_43 : memref<640x128xf32, #tpu.memory_space<vmem_shared>>) target(%dma_start3A_41 : memref<640x128xf32, #tpu.memory_space<hbm>>) target_semaphore(%run_scoped3A : memref<!tpu.dma_semaphore, #tpu.memory_space<semaphore_mem>>)
      %dma_wait3A = arith.constant 0 : i32
      %dma_wait3A_44 = tpu.memref_slice %arg6[%arg0, %mul3A_39, %dma_wait3A] : memref<2x10240x128xf32, #tpu.memory_space<hbm>> -> memref<1x640x128xf32, #tpu.memory_space<hbm>>
      %dma_wait3A_45 = tpu.memref_squeeze %dma_wait3A_44 : memref<1x640x128xf32, #tpu.memory_space<hbm>> -> memref<640x128xf32, #tpu.memory_space<hbm>>
      %dma_wait3A_46 = arith.constant 0 : i32
      %dma_wait3A_47 = tpu.memref_slice %arg11[%mul3A_37, %dma_wait3A_46] : memref<10240x128xf32, #tpu.memory_space<vmem_shared>> -> memref<640x128xf32, #tpu.memory_space<vmem_shared>>
      tpu.wait_dma2 semaphore(%run_scoped3A : memref<!tpu.dma_semaphore, #tpu.memory_space<semaphore_mem>>) src(%dma_wait3A_47 : memref<640x128xf32, #tpu.memory_space<vmem_shared>>) dst(%dma_wait3A_45 : memref<640x128xf32, #tpu.memory_space<hbm>>)
      tpu.yield
    }) : () -> ()
    return
  }
}

module attributes {stable_mosaic.version = 14 : i64} {
  func.func @_mm_body(%arg0: i32, %arg1: memref<1024x32xf32, #tpu.memory_space<vmem>>, %arg2: memref<1024x128xf32, #tpu.memory_space<vmem>>, %arg3: memref<128x128xf32, #tpu.memory_space<vmem>>, %arg4: memref<1024x128xf32, #tpu.memory_space<vmem>>) attributes {dimension_semantics = [#tpu.dimension_semantics<arbitrary>], iteration_bounds = array<i64: 10>, scalar_prefetch = 0 : i64, scratch_operands = 0 : i64, tpu.core_type = #tpu.core_type<tc>, window_params = [{transform_indices = @transform_0, window_bounds = array<i64: 1024, 32>}, {transform_indices = @transform_1, window_bounds = array<i64: 1024, 128>}, {pipeline_mode = #tpu.pipeline_mode<synchronous>, transform_indices = @transform_2, window_bounds = array<i64: 128, 128>}, {transform_indices = @transform_3, window_bounds = array<i64: 1024, 128>}]} {
    %get3A = arith.constant 0 : index
    %get3A_0 = arith.constant 0 : index
    %get3A_1 = vector.load %arg1[%get3A, %get3A_0] : memref<1024x32xf32, #tpu.memory_space<vmem>>, vector<1024x32xf32>
    %reduce_sum3A = arith.constant dense<0.000000e+00> : vector<1024xf32>
    %reduce_sum3A_2 = vector.multi_reduction <add>, %get3A_1, %reduce_sum3A [1] : vector<1024x32xf32> to vector<1024xf32>
    %broadcast_in_dim3A = vector.shape_cast %reduce_sum3A_2 : vector<1024xf32> to vector<1024x1xf32>
    %add3A = arith.constant 1.000000e+00 : f32
    %add3A_3 = vector.broadcast %add3A : f32 to vector<1024x1xf32>
    %add3A_4 = arith.addf %broadcast_in_dim3A, %add3A_3 : vector<1024x1xf32>
    %rsqrt3A = math.rsqrt %add3A_4 : vector<1024x1xf32>
    %get3A_5 = arith.constant 0 : index
    %get3A_6 = arith.constant 0 : index
    %get3A_7 = vector.load %arg2[%get3A_5, %get3A_6] : memref<1024x128xf32, #tpu.memory_space<vmem>>, vector<1024x128xf32>
    %get3A_8 = arith.constant 0 : index
    %get3A_9 = arith.constant 0 : index
    %get3A_10 = vector.load %arg3[%get3A_8, %get3A_9] : memref<128x128xf32, #tpu.memory_space<vmem>>, vector<128x128xf32>
    %dot_general3A = arith.constant dense<0.000000e+00> : vector<1024x128xf32>
    %dot_general3A_11 = tpu.matmul %get3A_7, %get3A_10, %dot_general3A {dimension_numbers = #tpu.dot_dimension_numbers<[1], [0], [0], [1], [0, 0, 1, 1], [], []>, transpose_lhs_hint = false} : vector<1024x128xf32>, vector<128x128xf32>, vector<1024x128xf32> -> vector<1024x128xf32>
    %mul3A = vector.broadcast %rsqrt3A : vector<1024x1xf32> to vector<1024x128xf32>
    %mul3A_12 = arith.mulf %dot_general3A_11, %mul3A : vector<1024x128xf32>
    %swap3A = arith.constant 0 : index
    %swap3A_13 = arith.constant 0 : index
    %swap3A_14 = vector.load %arg4[%swap3A, %swap3A_13] : memref<1024x128xf32, #tpu.memory_space<vmem>>, vector<1024x128xf32>
    tpu.vector_store %arg4[%swap3A, %swap3A_13], %mul3A_12 {strides = array<i32>} : memref<1024x128xf32, #tpu.memory_space<vmem>>, vector<1024x128xf32>,
    return
  }
  func.func @transform_0(%arg0: i32) -> (i32, i32) {
    %c0_i32 = arith.constant 0 : i32
    %c0_i32_0 = arith.constant 0 : i32
    return %arg0, %c0_i32 : i32, i32
  }
  func.func @transform_1(%arg0: i32) -> (i32, i32) {
    %c0_i32 = arith.constant 0 : i32
    %c0_i32_0 = arith.constant 0 : i32
    return %arg0, %c0_i32 : i32, i32
  }
  func.func @transform_2(%arg0: i32) -> (i32, i32) {
    %c0_i32 = arith.constant 0 : i32
    %c0_i32_0 = arith.constant 0 : i32
    %c0_i32_1 = arith.constant 0 : i32
    return %c0_i32, %c0_i32_0 : i32, i32
  }
  func.func @transform_3(%arg0: i32) -> (i32, i32) {
    %c0_i32 = arith.constant 0 : i32
    %c0_i32_0 = arith.constant 0 : i32
    return %arg0, %c0_i32 : i32, i32
  }
}

module attributes {stable_mosaic.version = 14 : i64} {
  func.func @_comb_body(%arg0: i32, %arg1: memref<2x1024x128xf32, #tpu.memory_space<vmem>>, %arg2: memref<1024x128xf32, #tpu.memory_space<vmem>>, %arg3: memref<1024x32xf32, #tpu.memory_space<vmem>>, %arg4: memref<1x128xf32, #tpu.memory_space<vmem>>, %arg5: memref<1024x128xf32, #tpu.memory_space<vmem>>) attributes {dimension_semantics = [#tpu.dimension_semantics<arbitrary>], iteration_bounds = array<i64: 10>, scalar_prefetch = 0 : i64, scratch_operands = 0 : i64, tpu.core_type = #tpu.core_type<tc>, window_params = [{transform_indices = @transform_0, window_bounds = array<i64: 2, 1024, 128>}, {transform_indices = @transform_1, window_bounds = array<i64: 1024, 128>}, {transform_indices = @transform_2, window_bounds = array<i64: 1024, 32>}, {pipeline_mode = #tpu.pipeline_mode<synchronous>, transform_indices = @transform_3, window_bounds = array<i64: 1, 128>}, {transform_indices = @transform_4, window_bounds = array<i64: 1024, 128>}]} {
    %get3A = arith.constant 0 : index
    %get3A_0 = arith.constant 0 : index
    %get3A_1 = vector.load %arg3[%get3A, %get3A_0] : memref<1024x32xf32, #tpu.memory_space<vmem>>, vector<1024x32xf32>
    %reduce_sum3A = arith.constant dense<0.000000e+00> : vector<1024xf32>
    %reduce_sum3A_2 = vector.multi_reduction <add>, %get3A_1, %reduce_sum3A [1] : vector<1024x32xf32> to vector<1024xf32>
    %broadcast_in_dim3A = vector.shape_cast %reduce_sum3A_2 : vector<1024xf32> to vector<1024x1xf32>
    %add3A = arith.constant 1.000000e+00 : f32
    %add3A_3 = vector.broadcast %add3A : f32 to vector<1024x1xf32>
    %add3A_4 = arith.addf %broadcast_in_dim3A, %add3A_3 : vector<1024x1xf32>
    %rsqrt3A = math.rsqrt %add3A_4 : vector<1024x1xf32>
    %get3A_5 = arith.constant 0 : index
    %get3A_6 = arith.constant 0 : index
    %get3A_7 = arith.constant 0 : index
    %get3A_8 = vector.load %arg1[%get3A_5, %get3A_6, %get3A_7] : memref<2x1024x128xf32, #tpu.memory_space<vmem>>, vector<2x1024x128xf32>
    %slice3A = vector.extract_strided_slice %get3A_8 {offsets = [0, 0, 0], sizes = [1, 1024, 128], strides = [1, 1, 1]} : vector<2x1024x128xf32> to vector<1x1024x128xf32>
    %squeeze3A = vector.shape_cast %slice3A : vector<1x1024x128xf32> to vector<1024x128xf32>
    %slice3A_9 = vector.extract_strided_slice %get3A_8 {offsets = [1, 0, 0], sizes = [1, 1024, 128], strides = [1, 1, 1]} : vector<2x1024x128xf32> to vector<1x1024x128xf32>
    %squeeze3A_10 = vector.shape_cast %slice3A_9 : vector<1x1024x128xf32> to vector<1024x128xf32>
    %add3A_11 = arith.addf %squeeze3A, %squeeze3A_10 : vector<1024x128xf32>
    %get3A_12 = arith.constant 0 : index
    %get3A_13 = arith.constant 0 : index
    %get3A_14 = vector.load %arg2[%get3A_12, %get3A_13] : memref<1024x128xf32, #tpu.memory_space<vmem>>, vector<1024x128xf32>
    %add3A_15 = arith.addf %add3A_11, %get3A_14 : vector<1024x128xf32>
    %mul3A = vector.broadcast %rsqrt3A : vector<1024x1xf32> to vector<1024x128xf32>
    %mul3A_16 = arith.mulf %add3A_15, %mul3A : vector<1024x128xf32>
    %get3A_17 = arith.constant 0 : index
    %get3A_18 = arith.constant 0 : index
    %get3A_19 = vector.load %arg4[%get3A_17, %get3A_18] : memref<1x128xf32, #tpu.memory_space<vmem>>, vector<1x128xf32>
    %add3A_20 = vector.broadcast %get3A_19 : vector<1x128xf32> to vector<1024x128xf32>
    %add3A_21 = arith.addf %mul3A_16, %add3A_20 : vector<1024x128xf32>
    %swap3A = arith.constant 0 : index
    %swap3A_22 = arith.constant 0 : index
    %swap3A_23 = vector.load %arg5[%swap3A, %swap3A_22] : memref<1024x128xf32, #tpu.memory_space<vmem>>, vector<1024x128xf32>
    tpu.vector_store %arg5[%swap3A, %swap3A_22], %add3A_21 {strides = array<i32>} : memref<1024x128xf32, #tpu.memory_space<vmem>>, vector<1024x128xf32>,
    return
  }
  func.func @transform_0(%arg0: i32) -> (i32, i32, i32) {
    %c0_i32 = arith.constant 0 : i32
    %c0_i32_0 = arith.constant 0 : i32
    %c0_i32_1 = arith.constant 0 : i32
    return %c0_i32, %arg0, %c0_i32_0 : i32, i32, i32
  }
  func.func @transform_1(%arg0: i32) -> (i32, i32) {
    %c0_i32 = arith.constant 0 : i32
    %c0_i32_0 = arith.constant 0 : i32
    return %arg0, %c0_i32 : i32, i32
  }
  func.func @transform_2(%arg0: i32) -> (i32, i32) {
    %c0_i32 = arith.constant 0 : i32
    %c0_i32_0 = arith.constant 0 : i32
    return %arg0, %c0_i32 : i32, i32
  }
  func.func @transform_3(%arg0: i32) -> (i32, i32) {
    %c0_i32 = arith.constant 0 : i32
    %c0_i32_0 = arith.constant 0 : i32
    %c0_i32_1 = arith.constant 0 : i32
    return %c0_i32, %c0_i32_0 : i32, i32
  }
  func.func @transform_4(%arg0: i32) -> (i32, i32) {
    %c0_i32 = arith.constant 0 : i32
    %c0_i32_0 = arith.constant 0 : i32
    return %arg0, %c0_i32 : i32, i32
  }
}

</mosaic_0001>

<sc_bundles>
// kernel: kernel.6.cloned.1.call-start
scs
__scs_entry_jumppad:
0x0: {  	(pc) =	sbr.rel $0x88, $3  }
0x1: {  	(tag) =	ssettag $0x0;
	lr =	simm.s32 $0x1  }
0x2: {  	[smem:$0x3F9D] =	sst lr;
	_ =	strace $0xD0000000  }
0x3: {  	_ = 	snop  }
0x4: {  	_ = 	snop  }
0x5: {  	_ = 	snop  }
0x6: {  	_ = 	snop  }
0x7: {  	_ = 	snop  }
__scs_overlays_trampoline_lowered:
0x8: {  	[smem:$0x3FAC] =	sst s0  }
0x9: {  	[smem:$0x3FAD] =	sst s1  }
0xa: {  	[smem:$0x3FAE] =	sst s2  }
0xb: {  	[smem:$0x3FAF] =	sst s3  }
0xc: {  	[smem:$0x3FB0] =	sst s4  }
0xd: {  	[smem:$0x3FB1] =	sst s5  }
0xe: {  	[smem:$0x3FB2] =	sst s6  }
0xf: {  	[smem:$0x3FB3] =	sst s7  }
0x10: {  	[smem:$0x3FB4] =	sst s8  }
0x11: {  	[smem:$0x3FB5] =	sst s9;
	s0 =	simm.s32 @!p0 $0x0  }
0x12: {  	s1 =	sld [smem:$0x3F9B];
	s0 =	simm.s32 @p0 $0x1  }
0x13: {  	[smem:$0x3FB6] =	sst s0;
	s0 =	simm.s32 @!p1 $0x0  }
0x14: {  	s2 =	sld [smem:$0x3F9A];
	s0 =	simm.s32 @p1 $0x1  }
0x15: {  	[smem:$0x3FB7] =	sst s0;
	s0 =	simm.s32 @!p2 $0x0  }
0x16: {  	s3 =	sld [smem:$0x3FDB];
	s0 =	simm.s32 @p2 $0x1  }
0x17: {  	s4 =	simm.s32 $0x1BF5;
	[smem:$0x3FB9] =	sst s0  }
0x18: {  	s0 =	sld [smem:$0x3F9C];
	_ =	swait.ge [sflag:s4], $0x0  }
0x19: {  	s7 =	sld [smem:$0x3F9D]  }
0x1a: {  	s8 =	sadd.s32 $0xFFFFE003, lr  }
0x1b: {  	s9 =	sadd.s32 $0xFFFFFEF7, lr;
	s5 =	simm.s32 $0xFFFFFFFF;
	p2 =	slt.u32 s8, $0xFFFFF086  }
0x1c: {  	p1 =	slt.u32 s9, $0xF7A;
	s5 =	simm.s32 @!p2 $0x0  }
0x1d: {  	s5 =	simm.s32 @p1 $0x1;
	p0 =	seq.s32 s7, s2  }
0x1e: {  	s7 =	smul.u32 @!p0 $0xF7A, s2;
	p2 =	seq.s32 @!p0 s5, $0x0  }
0x1f: {  	s9 =	smul.u32 $0xF7A, s1;
	s8 =	simm.s32 @!p0 $0x1BF5;
	p2 =	por !p2, p0  }
0x20: {  	[sflag:s8] =	ssyncset.s32 @!p0 $0xFFFFF086;
	s6 =	sadd.s32 @!p0 s3, s7;
	s7 =	simm.s32 @!p0 $0x108  }
0x21: {  	s3 =	sadd.s32 s3, s9;
	s6 =	sadd.s32 @!p0 $0x88, s6;
	s7 =	simm.s32 @p2 $0x1082  }
0x22: {  	[simem:s7], [sflag:s8] =	dma.local @!p0 [hbm:s6], $0xF7A  }
0x23: {  	s9 =	sor.u32 $0xD0000000, s2;
	s6 =	simm.s32 $0x108;
	_ =	swait.ge @!p0 [sflag:s8], $0x0  }
0x24: {  	s3 =	sadd.s32 $0x88, s3;
	s6 =	simm.s32 @!p1 $0x1082;
	[sflag:s4] =	ssyncset.s32 $0xFFFFF086  }
0x25: {  	[simem:s6], [sflag:s4] =	dma.local [hbm:s3], $0xF7A  }
0x26: {  	[smem:$0x3F9D] =	sst s1;
	(tag) =	ssettag s2;
	_ =	strace s9  }
0x27: {  	s1 =	sld [smem:$0x3FAD]  }
0x28: {  	s2 =	sld [smem:$0x3FAE]  }
0x29: {  	s4 =	sld [smem:$0x3FB0]  }
0x2a: {  	p0 =	seq.s32 s5, $0x0;
	s5 =	sld [smem:$0x3FB1]  }
0x2b: {  	s6 =	sld [smem:$0x3FB2]  }
0x2c: {  	s7 =	sld [smem:$0x3FB3]  }
0x2d: {  	s3 =	simm.s32 $0x108;
	s8 =	sld [smem:$0x3FB4]  }
0x2e: {  	s3 =	simm.s32 @!p0 $0x1082;
	s9 =	sld [smem:$0x3FB5]  }
0x2f: {  	lr =	sadd.s32 s0, s3;
	s0 =	sld [smem:$0x3FAC]  }
0x30: {  	s3 =	sld [smem:$0x3FAF]  }
0x31: {  	[smem:$0x3FB8] =	sst s10  }
0x32: {  	s10 =	sld [smem:$0x3FB6];
	_ =	sdelay $0x3  }
0x33: {  	p0 =	seq.s32 s10, $0x1;
	s10 =	sld [smem:$0x3FB8];
	_ =	sdelay $0x3  }
0x34: {  	[smem:$0x3FB8] =	sst s10  }
0x35: {  	s10 =	sld [smem:$0x3FB7];
	_ =	sdelay $0x3  }
0x36: {  	p1 =	seq.s32 s10, $0x1;
	s10 =	sld [smem:$0x3FB8];
	_ =	sdelay $0x3  }
0x37: {  	[smem:$0x3FB8] =	sst s10  }
0x38: {  	s10 =	sld [smem:$0x3FB9]  }
0x39: {  	_ = 	snop;
	(pc) =	sbr.ind lr, $3  }
0x3a: {  	_ = 	snop  }
0x3b: {  	_ = 	snop  }
0x3c: {  	p2 =	seq.s32 s10, $0x1;
	s10 =	sld [smem:$0x3FB8]  }
0x3d: {  	_ =	shalt  }
0x3e: {  	_ =	shalt  }
0x3f: {  	_ =	shalt  }
0x40: {  	_ =	shalt  }
0x41: {  	_ =	shalt  }
0x42: {  	_ =	shalt  }
0x43: {  	_ =	shalt  }
0x44: {  	_ =	shalt  }
0x45: {  	_ =	shalt  }
0x46: {  	_ =	shalt  }
0x47: {  	_ =	shalt  }
0x48: {  	_ =	shalt  }
0x49: {  	_ =	shalt  }
0x4a: {  	_ =	shalt  }
0x4b: {  	_ =	shalt  }
0x4c: {  	_ =	shalt  }
0x4d: {  	_ =	shalt  }
0x4e: {  	_ =	shalt  }
0x4f: {  	_ =	shalt  }
0x50: {  	_ =	shalt  }
0x51: {  	_ =	shalt  }
0x52: {  	_ =	shalt  }
0x53: {  	_ =	shalt  }
0x54: {  	_ =	shalt  }
0x55: {  	_ =	shalt  }
0x56: {  	_ =	shalt  }
0x57: {  	_ =	shalt  }
0x58: {  	_ =	shalt  }
0x59: {  	_ =	shalt  }
0x5a: {  	_ =	shalt  }
0x5b: {  	_ =	shalt  }
0x5c: {  	_ =	shalt  }
0x5d: {  	_ =	shalt  }
0x5e: {  	_ =	shalt  }
0x5f: {  	_ =	shalt  }
0x60: {  	_ =	shalt  }
0x61: {  	_ =	shalt  }
0x62: {  	_ =	shalt  }
0x63: {  	_ =	shalt  }
0x64: {  	_ =	shalt  }
0x65: {  	_ =	shalt  }
0x66: {  	_ =	shalt  }
0x67: {  	_ =	shalt  }
0x68: {  	_ =	shalt  }
0x69: {  	_ =	shalt  }
0x6a: {  	_ =	shalt  }
0x6b: {  	_ =	shalt  }
0x6c: {  	_ =	shalt  }
0x6d: {  	_ =	shalt  }
0x6e: {  	_ =	shalt  }
0x6f: {  	_ =	shalt  }
0x70: {  	_ =	shalt  }
0x71: {  	_ =	shalt  }
0x72: {  	_ =	shalt  }
0x73: {  	_ =	shalt  }
0x74: {  	_ =	shalt  }
0x75: {  	_ =	shalt  }
0x76: {  	_ =	shalt  }
0x77: {  	_ =	shalt  }
0x78: {  	_ =	shalt  }
0x79: {  	_ =	shalt  }
0x7a: {  	_ =	shalt  }
0x7b: {  	_ =	shalt  }
0x7c: {  	_ =	shalt  }
0x7d: {  	_ =	shalt  }
0x7e: {  	_ =	shalt  }
0x7f: {  	_ =	shalt  }
0x80: {  	_ =	shalt  }
0x81: {  	_ =	shalt  }
0x82: {  	_ =	shalt  }
0x83: {  	_ =	shalt  }
0x84: {  	_ =	shalt  }
0x85: {  	_ =	shalt  }
0x86: {  	_ =	shalt  }
0x87: {  	_ =	shalt  }
.Lfunc_end0:
.L_simem_size_0:
called_computation_lowered:
.L_overlay_start_0:
0x88: {  	s2 =	sld [smem:$0x3FD9]  }
0x89: {  	s3 =	sld [smem:$0x3FFE];
	_ =	sdelay $0x1  }
0x8a: {  	s1 =	srdreg.scid  }
0x8b: {  	s0 =	sand.u32 $0x1, s1  }
0x8c: {  	s16 =	sshll.u32 s0, $0xA;
	s2 =	sadd.s32 s3, s2  }
0x8d: {  	s2 =	sadd.s32 s2, s16  }
0x8e: {  	[smem:$0x3FC4] =	sst s2  }
0x8f: {  	_ = 	snop  }
0x90: {  	(tm) =	ssettm $0x1  }
0x91: {  	s17 =	sld [smem:$0x3FFB];
	_ =	sdelay $0x3  }
0x92: {  	_ =	strace s17  }
0x93: {  	s2 =	sld [smem:$0x3FFC];
	_ =	sdelay $0x3  }
0x94: {  	_ =	strace s2  }
0x95: {  	s2 =	sld [smem:$0x3FFD];
	_ =	sdelay $0x3  }
0x96: {  	_ =	strace s2  }
0x97: {  	_ =	strace $0x8FFFFFFF  }
0x98: {  	s18 =	sld [smem:$0x3FDB];
	_ =	sdelay $0x1  }
0x99: {  	s19 =	simm.s32 $_scs_section_size  }
0x9a: {  	s4 =	simm.s32 $_size__tile_overlayer_lowered;
	s5 =	simm.s32 $_tile_overlayer_lowered  }
0x9b: {  	s22 =	simm.s32 $0x1BFF;
	s21 =	sshll.u32 s5, $0x1;
	s2 =	sadd.s32 s19, s18  }
0x9c: {  	s6 =	simm.s32 $0x0;
	s20 =	sshll.u32 s4, $0x1;
	s4 =	sadd.s32 s21, s2  }
0x9d: {  	[timem:s6], [sflag:s22] =	dma.local [hbm:s4], s20  }
0x9e: {  	_ =	swait.ge [sflag:s22], s20  }
0x9f: {  	s3 =	ssub.s32 $0x0, s20;
	[sflag:s22] =	ssyncset.done $0x0  }
0xa0: {  	[sflag:s22] =	ssyncadd.s32 s3;
	_ =	sdelay $0x1  }
0xa1: {  	s23 =	simm.s32 $0x1B8B  }
0xa2: {  	_ =	swait.ge [sflag:s23], $0x1  }
0xa3: {  	[sflag:s23] =	ssyncset.done $0x0  }
0xa4: {  	s25 =	simm.s32 $0x1B8E;
	s24 =	sld [smem:$0x3FFE];
	[sflag:s23] =	ssyncadd.s32 $0xFFFFFFFF  }
0xa5: {  	s26 =	simm.s32 $execute0_lowered;
	[smem:$0x3FD2] =	sst s25  }
0xa6: {  	s4 =	sshll.u32 s26, $0x1;
	_ =	strace $0x80000046;
	[dreg:$0x1] =	wrdreg $0xFFFFFFFF  }
0xa7: {  	s28 =	simm.s32 $_size_execute0_lowered;
	s2 =	sadd.s32 s2, s4;
	[dreg:$0x0] =	wrdreg $0x0  }
0xa8: {  	s4 =	sshll.u32 s28, $0x1;
	[dreg:$0x2] =	wrdreg s2  }
0xa9: {  	[dreg:$0x3] =	wrdreg s4  }
0xaa: {  	[dreg:$0x4] =	wrdreg $0xC0  }
0xab: {  	_ =	task [dreg:s6], $0x5FFFF  }
0xac: {  	[dreg:$0x1] =	wrdreg $0xFFFFFFFF  }
0xad: {  	[dreg:$0x0] =	wrdreg $0x60  }
0xae: {  	[dreg:$0x2] =	wrdreg s24  }
0xaf: {  	[dreg:$0x3] =	wrdreg $0x9  }
0xb0: {  	_ =	task.clear_ibuf [dreg:s6], $0x4FFFF;
	_ =	strace $0x90000046  }
0xb1: {  	s29 =	simm.s32 $0x9;
	_ =	strace $0x80000048  }
0xb2: {  	_ =	swait.ge [sflag:s29], $0x1  }
0xb3: {  	[sflag:s29] =	ssyncadd.s32 $0xFFFFFFFF  }
0xb4: {  	_ =	strace $0x90000048  }
0xb5: {  	_ =	sfence  }
0xb6: {  	s30 =	sld [smem:$0x0];
	_ =	sdelay $0x2  }
0xb7: {  	s31 =	sshll.u32 s1, $0xD;
	s1 =	sshrl.u32 s1, $0x2  }
0xb8: {  	s3 =	sand.u32 $0x4000, s31;
	s1 =	sadd.s32 s1, s30  }
0xb9: {  	s0 =	sor.u32 s3, s0;
	s1 =	sshll.u32 s1, $0x11  }
0xba: {  	s0 =	sor.u32 s1, s0  }
0xbb: {  	s0 =	sadd.s32 $0x8F2B, s0  }
0xbc: {  	[sflag:s0] =	ssyncadd.remote.s32 $0x1  }
0xbd: {  	_ =	sfence.sel $0xFFFF  }
0xbe: {  	[dreg:$0x0] =	wrdreg $0xFFFFFFFF;
	(pc) =	sbr.abs _section_cstart, $3  }
0xbf: {  	[dreg:$0x1] =	wrdreg $0xFFFFFFFF  }
0xc0: {  	_ =	task.clear_ibuf [dreg:s6], $0x2FFFF;
	_ =	strace $0x9FFFFFFF  }
0xc1: {  	(tm) =	ssettm $0x7FFFFFFF  }
tec
execute0_lowered:
.L_overlay_start_1:
0x0: {  	(tag) =	ssettag $0x1  }
0x1: {  	s0 =	srdreg.scid  }
0x2: {  	s4 =	rddreg [dreg:$0x0];
	s1 =	stileid.u32;
	s3 =	sand.u32 $0x1, s0  }
0x3: {  	s2 =	simm.s32 $0x0;
	s8 =	simm.s32 $0x2800;
	s5 =	sshll.u32 s3, $0x4  }
0x4: {  	s9 =	simm.s32 $0x0;
	s0 =	rddreg [dreg:$0x1];
	s5 =	sor.u32 s1, s5  }
0x5: {  	[smem:$0x7FF] =	sst s2;
	s6 =	ssub.s32 $0x2, s3;
	s5 =	smul.u32 $0x500, s5  }
0x6: {  	_ =	strace $0x80000047;
	s3 =	sadd.s32 $0xBC00, s4;
	s7 =	sshrl.u32 s6, $0x1  }
0x7: {  	s6 =	ssub.s32 s6, s7;
	s7 =	simm.s32 $0x1;
	s5 =	sadd.s32 s5, s4  }
0x8: {  	s6 =	smax.u32 s6, $0x1;
	s4 =	sadd.s32 $0x1800, s5;
	s5 =	sadd.s32 $0xC200, s5  }
.LBB2_1:
0x9: {  	[tilespmem:s2], [sflag:$0x1] =	stream.linear.gather [hbm4b:s4+s2], $0x2800, $0x38;
	[tilespmem:$0x5000] =	vst v63  }
0xa: {  	_ =	swait.ge [sflag:s7], $0x2800  }
0xb: {  	[sflag:s7] =	ssyncset.done $0x0  }
0xc: {  	[sflag:s7] =	ssyncadd.s32 $0xFFFFD800  }
0xd: {  	[tilespmem:s8], [sflag:$0x1] =	stream.linear.gather [hbm4b:s3+s2], $0x2800, $0x38;
	[tilespmem:$0x5000] =	vst v63  }
0xe: {  	_ =	swait.ge [sflag:s7], $0x2800  }
0xf: {  	[sflag:s7] =	ssyncset.done $0x0  }
0x10: {  	s10 =	simm.s32 $0x0;
	[sflag:s7] =	ssyncadd.s32 $0xFFFFD800  }
.LBB2_2:
0x11: {  	s11 =	sshra.s32 s10, $0x2  }
0x12: {  	v0 =	vld [tilespmem:s11+$0x0];
	_ =	sdelay $0x4  }
0x13: {  	(xrf1) =	vunique.msk.u32 $0xffff, v0;
	_ =	sdelay $0xd  }
0x14: {  	_, v1, vm0 =	vpop (xrf1);
	_ =	sdelay $0x3  }
0x15: {  	v1 =	vcvt.s32.f32 v1;
	_ =	sdelay $0x1  }
0x16: {  	[tilespmem:v0+s8+$0x0] =	vst.idx.add.f32.msk vm0, v1  }
0x17: {  	v0 =	vld [tilespmem:s11+$0x10];
	_ =	sdelay $0x4  }
0x18: {  	(xrf1) =	vunique.msk.u32 $0xffff, v0;
	_ =	sdelay $0xd  }
0x19: {  	_, v1, vm0 =	vpop (xrf1);
	_ =	sdelay $0x3  }
0x1a: {  	v1 =	vcvt.s32.f32 v1;
	_ =	sdelay $0x1  }
0x1b: {  	[tilespmem:v0+s8+$0x0] =	vst.idx.add.f32.msk vm0, v1  }
0x1c: {  	v0 =	vld [tilespmem:s11+$0x20];
	_ =	sdelay $0x4  }
0x1d: {  	(xrf1) =	vunique.msk.u32 $0xffff, v0;
	_ =	sdelay $0xd  }
0x1e: {  	_, v1, vm0 =	vpop (xrf1);
	_ =	sdelay $0x3  }
0x1f: {  	v1 =	vcvt.s32.f32 v1;
	_ =	sdelay $0x1  }
0x20: {  	[tilespmem:v0+s8+$0x0] =	vst.idx.add.f32.msk vm0, v1  }
0x21: {  	v0 =	vld [tilespmem:s11+$0x30];
	_ =	sdelay $0x4  }
0x22: {  	(xrf1) =	vunique.msk.u32 $0xffff, v0;
	_ =	sdelay $0xd  }
0x23: {  	_, v1, vm0 =	vpop (xrf1)  }
0x24: {  	p0 =	sne.s32 s10, $0x9F00  }
.Ltmp0:
0x25: {  	_ = 	snop;
	(pc) =	sbr.rel @p0 .LBB2_2-.Ltmp0, $3  }
0x26: {  	_ = 	snop  }
0x27: {  	v1 =	vcvt.s32.f32 v1;
	_ =	sdelay $0x1  }
0x28: {  	s10 =	sadd.s32 $0x100, s10;
	[tilespmem:v0+s8+$0x0] =	vst.idx.add.f32.msk vm0, v1  }
0x29: {  	s9 =	sadd.s32 $0x1, s9  }
0x2a: {  	p0 =	sne.s32 s9, s6  }
.Ltmp1:
0x2b: {  	_ = 	snop;
	(pc) =	sbr.rel @p0 .LBB2_1-.Ltmp1, $4  }
0x2c: {  	[hbm4b:s5+s2] =	stream.linear.scatter [tilespmem:s8], [sflag:$0x1], $0x2800, $0x38;
	[tilespmem:$0x5000] =	vst v63  }
0x2d: {  	_ =	swait.ge [sflag:s7], $0x2800  }
0x2e: {  	[sflag:s7] =	ssyncset.done $0x0  }
0x2f: {  	[sflag:s7] =	ssyncadd.s32 $0xFFFFD800  }
0x30: {  	_ =	sfence.sel $0x180000  }
0x31: {  	[bflag:$0x0] =	sbarrier.arrive $0xFFFF  }
0x32: {  	p0 =	sne.s32 s1, $0x0;
	_ =	strace $0x90000047  }
0x33: {  	s0 =	sadd.s32 @!p0 $0x100000, s0;
	[bflag:$0x2] =	sbarrier.arrive $0xFFFF  }
0x34: {  	[sflag:s0] =	ssyncadd.tile.s32 @!p0 $0x1;
	_ =	shalt  }
.Lfunc_end2:
_tile_overlayer_lowered:
.L_overlay_start_2:
0x35: {  	(tag) =	ssettag $0x2  }
0x36: {  	s0 =	rddreg [dreg:$0x0];
	s2 =	stileid.u32  }
0x37: {  	s1 =	rddreg [dreg:$0x1];
	p0 =	sne.s32 s2, $0x0  }
0x38: {  	s3 =	rddreg [dreg:$0x2];
	[bflag:$0x3] =	sbarrier.arrive $0xFFFF;
	s2 =	simm.s32 @!p0 $0x1C01  }
0x39: {  	[timem:s3], [sflag:s2] =	dma.local @!p0 [hbm:s0], s1  }
0x3a: {  	s0 =	simm.s32 @!p0 $0x1  }
0x3b: {  	_ =	swait.ge @!p0 [sflag:s0], s1  }
0x3c: {  	s1 =	ssub.s32 @!p0 $0x0, s1;
	[sflag:s0] =	ssyncset.done @!p0 $0x0  }
0x3d: {  	[sflag:s0] =	ssyncadd.s32 @!p0 s1  }
0x3e: {  	[bflag:$0x3] =	sbarrier.arrive $0xFFFF  }
0x3f: {  	_ =	shalt  }

// kernel: kernel.9.cloned.1.call-start
scs
__scs_entry_jumppad:
0x0: {  	(pc) =	sbr.rel $0x88, $3  }
0x1: {  	(tag) =	ssettag $0x0;
	lr =	simm.s32 $0x1  }
0x2: {  	[smem:$0x3F9D] =	sst lr;
	_ =	strace $0xD0000000  }
0x3: {  	_ = 	snop  }
0x4: {  	_ = 	snop  }
0x5: {  	_ = 	snop  }
0x6: {  	_ = 	snop  }
0x7: {  	_ = 	snop  }
__scs_overlays_trampoline_lowered:
0x8: {  	[smem:$0x3FAC] =	sst s0  }
0x9: {  	[smem:$0x3FAD] =	sst s1  }
0xa: {  	[smem:$0x3FAE] =	sst s2  }
0xb: {  	[smem:$0x3FAF] =	sst s3  }
0xc: {  	[smem:$0x3FB0] =	sst s4  }
0xd: {  	[smem:$0x3FB1] =	sst s5  }
0xe: {  	[smem:$0x3FB2] =	sst s6  }
0xf: {  	[smem:$0x3FB3] =	sst s7  }
0x10: {  	[smem:$0x3FB4] =	sst s8  }
0x11: {  	[smem:$0x3FB5] =	sst s9;
	s0 =	simm.s32 @!p0 $0x0  }
0x12: {  	s1 =	sld [smem:$0x3F9B];
	s0 =	simm.s32 @p0 $0x1  }
0x13: {  	[smem:$0x3FB6] =	sst s0;
	s0 =	simm.s32 @!p1 $0x0  }
0x14: {  	s2 =	sld [smem:$0x3F9A];
	s0 =	simm.s32 @p1 $0x1  }
0x15: {  	[smem:$0x3FB7] =	sst s0;
	s0 =	simm.s32 @!p2 $0x0  }
0x16: {  	s3 =	sld [smem:$0x3FDB];
	s0 =	simm.s32 @p2 $0x1  }
0x17: {  	s4 =	simm.s32 $0x1BF5;
	[smem:$0x3FB9] =	sst s0  }
0x18: {  	s0 =	sld [smem:$0x3F9C];
	_ =	swait.ge [sflag:s4], $0x0  }
0x19: {  	s7 =	sld [smem:$0x3F9D]  }
0x1a: {  	s8 =	sadd.s32 $0xFFFFE003, lr  }
0x1b: {  	s9 =	sadd.s32 $0xFFFFFEF7, lr;
	s5 =	simm.s32 $0xFFFFFFFF;
	p2 =	slt.u32 s8, $0xFFFFF086  }
0x1c: {  	p1 =	slt.u32 s9, $0xF7A;
	s5 =	simm.s32 @!p2 $0x0  }
0x1d: {  	s5 =	simm.s32 @p1 $0x1;
	p0 =	seq.s32 s7, s2  }
0x1e: {  	s7 =	smul.u32 @!p0 $0xF7A, s2;
	p2 =	seq.s32 @!p0 s5, $0x0  }
0x1f: {  	s9 =	smul.u32 $0xF7A, s1;
	s8 =	simm.s32 @!p0 $0x1BF5;
	p2 =	por !p2, p0  }
0x20: {  	[sflag:s8] =	ssyncset.s32 @!p0 $0xFFFFF086;
	s6 =	sadd.s32 @!p0 s3, s7;
	s7 =	simm.s32 @!p0 $0x108  }
0x21: {  	s3 =	sadd.s32 s3, s9;
	s6 =	sadd.s32 @!p0 $0x88, s6;
	s7 =	simm.s32 @p2 $0x1082  }
0x22: {  	[simem:s7], [sflag:s8] =	dma.local @!p0 [hbm:s6], $0xF7A  }
0x23: {  	s9 =	sor.u32 $0xD0000000, s2;
	s6 =	simm.s32 $0x108;
	_ =	swait.ge @!p0 [sflag:s8], $0x0  }
0x24: {  	s3 =	sadd.s32 $0x88, s3;
	s6 =	simm.s32 @!p1 $0x1082;
	[sflag:s4] =	ssyncset.s32 $0xFFFFF086  }
0x25: {  	[simem:s6], [sflag:s4] =	dma.local [hbm:s3], $0xF7A  }
0x26: {  	[smem:$0x3F9D] =	sst s1;
	(tag) =	ssettag s2;
	_ =	strace s9  }
0x27: {  	s1 =	sld [smem:$0x3FAD]  }
0x28: {  	s2 =	sld [smem:$0x3FAE]  }
0x29: {  	s4 =	sld [smem:$0x3FB0]  }
0x2a: {  	p0 =	seq.s32 s5, $0x0;
	s5 =	sld [smem:$0x3FB1]  }
0x2b: {  	s6 =	sld [smem:$0x3FB2]  }
0x2c: {  	s7 =	sld [smem:$0x3FB3]  }
0x2d: {  	s3 =	simm.s32 $0x108;
	s8 =	sld [smem:$0x3FB4]  }
0x2e: {  	s3 =	simm.s32 @!p0 $0x1082;
	s9 =	sld [smem:$0x3FB5]  }
0x2f: {  	lr =	sadd.s32 s0, s3;
	s0 =	sld [smem:$0x3FAC]  }
0x30: {  	s3 =	sld [smem:$0x3FAF]  }
0x31: {  	[smem:$0x3FB8] =	sst s10  }
0x32: {  	s10 =	sld [smem:$0x3FB6];
	_ =	sdelay $0x3  }
0x33: {  	p0 =	seq.s32 s10, $0x1;
	s10 =	sld [smem:$0x3FB8];
	_ =	sdelay $0x3  }
0x34: {  	[smem:$0x3FB8] =	sst s10  }
0x35: {  	s10 =	sld [smem:$0x3FB7];
	_ =	sdelay $0x3  }
0x36: {  	p1 =	seq.s32 s10, $0x1;
	s10 =	sld [smem:$0x3FB8];
	_ =	sdelay $0x3  }
0x37: {  	[smem:$0x3FB8] =	sst s10  }
0x38: {  	s10 =	sld [smem:$0x3FB9]  }
0x39: {  	_ = 	snop;
	(pc) =	sbr.ind lr, $3  }
0x3a: {  	_ = 	snop  }
0x3b: {  	_ = 	snop  }
0x3c: {  	p2 =	seq.s32 s10, $0x1;
	s10 =	sld [smem:$0x3FB8]  }
0x3d: {  	_ =	shalt  }
0x3e: {  	_ =	shalt  }
0x3f: {  	_ =	shalt  }
0x40: {  	_ =	shalt  }
0x41: {  	_ =	shalt  }
0x42: {  	_ =	shalt  }
0x43: {  	_ =	shalt  }
0x44: {  	_ =	shalt  }
0x45: {  	_ =	shalt  }
0x46: {  	_ =	shalt  }
0x47: {  	_ =	shalt  }
0x48: {  	_ =	shalt  }
0x49: {  	_ =	shalt  }
0x4a: {  	_ =	shalt  }
0x4b: {  	_ =	shalt  }
0x4c: {  	_ =	shalt  }
0x4d: {  	_ =	shalt  }
0x4e: {  	_ =	shalt  }
0x4f: {  	_ =	shalt  }
0x50: {  	_ =	shalt  }
0x51: {  	_ =	shalt  }
0x52: {  	_ =	shalt  }
0x53: {  	_ =	shalt  }
0x54: {  	_ =	shalt  }
0x55: {  	_ =	shalt  }
0x56: {  	_ =	shalt  }
0x57: {  	_ =	shalt  }
0x58: {  	_ =	shalt  }
0x59: {  	_ =	shalt  }
0x5a: {  	_ =	shalt  }
0x5b: {  	_ =	shalt  }
0x5c: {  	_ =	shalt  }
0x5d: {  	_ =	shalt  }
0x5e: {  	_ =	shalt  }
0x5f: {  	_ =	shalt  }
0x60: {  	_ =	shalt  }
0x61: {  	_ =	shalt  }
0x62: {  	_ =	shalt  }
0x63: {  	_ =	shalt  }
0x64: {  	_ =	shalt  }
0x65: {  	_ =	shalt  }
0x66: {  	_ =	shalt  }
0x67: {  	_ =	shalt  }
0x68: {  	_ =	shalt  }
0x69: {  	_ =	shalt  }
0x6a: {  	_ =	shalt  }
0x6b: {  	_ =	shalt  }
0x6c: {  	_ =	shalt  }
0x6d: {  	_ =	shalt  }
0x6e: {  	_ =	shalt  }
0x6f: {  	_ =	shalt  }
0x70: {  	_ =	shalt  }
0x71: {  	_ =	shalt  }
0x72: {  	_ =	shalt  }
0x73: {  	_ =	shalt  }
0x74: {  	_ =	shalt  }
0x75: {  	_ =	shalt  }
0x76: {  	_ =	shalt  }
0x77: {  	_ =	shalt  }
0x78: {  	_ =	shalt  }
0x79: {  	_ =	shalt  }
0x7a: {  	_ =	shalt  }
0x7b: {  	_ =	shalt  }
0x7c: {  	_ =	shalt  }
0x7d: {  	_ =	shalt  }
0x7e: {  	_ =	shalt  }
0x7f: {  	_ =	shalt  }
0x80: {  	_ =	shalt  }
0x81: {  	_ =	shalt  }
0x82: {  	_ =	shalt  }
0x83: {  	_ =	shalt  }
0x84: {  	_ =	shalt  }
0x85: {  	_ =	shalt  }
0x86: {  	_ =	shalt  }
0x87: {  	_ =	shalt  }
.Lfunc_end0:
.L_simem_size_0:
called_computation.1_lowered:
.L_overlay_start_0:
0x88: {  	s2 =	sld [smem:$0x3FD9]  }
0x89: {  	s3 =	sld [smem:$0x3FFE];
	_ =	sdelay $0x1  }
0x8a: {  	s1 =	srdreg.scid  }
0x8b: {  	s0 =	sand.u32 $0x1, s1  }
0x8c: {  	s17 =	sshll.u32 s0, $0xA;
	s2 =	sadd.s32 s3, s2  }
0x8d: {  	s2 =	sadd.s32 s2, s17  }
0x8e: {  	[smem:$0x3FC4] =	sst s2  }
0x8f: {  	_ = 	snop  }
0x90: {  	s2 =	sld [smem:$0x3FD0];
	(tm) =	ssettm $0x1  }
0x91: {  	s18 =	sld [smem:$0x3FFB];
	_ =	sdelay $0x3  }
0x92: {  	_ =	strace s18  }
0x93: {  	s3 =	sld [smem:$0x3FFC];
	_ =	sdelay $0x3  }
0x94: {  	_ =	strace s3  }
0x95: {  	s3 =	sld [smem:$0x3FFD];
	_ =	sdelay $0x3  }
0x96: {  	_ =	strace s3  }
0x97: {  	_ =	strace $0x8FFFFFFF  }
0x98: {  	s19 =	sld [smem:$0x3FDB];
	_ =	sdelay $0x1  }
0x99: {  	s4 =	simm.s32 $_scs_section_size  }
0x9a: {  	s5 =	simm.s32 $_size__tile_overlayer_lowered;
	s6 =	simm.s32 $_tile_overlayer_lowered  }
0x9b: {  	s22 =	simm.s32 $0x1BFF;
	s21 =	sshll.u32 s6, $0x1;
	s3 =	sadd.s32 s4, s19  }
0x9c: {  	s7 =	simm.s32 $0x0;
	s20 =	sshll.u32 s5, $0x1;
	s5 =	sadd.s32 s21, s3  }
0x9d: {  	[timem:s7], [sflag:s22] =	dma.local [hbm:s5], s20  }
0x9e: {  	_ =	swait.ge [sflag:s22], s20  }
0x9f: {  	s4 =	ssub.s32 $0x0, s20;
	[sflag:s22] =	ssyncset.done $0x0  }
0xa0: {  	[sflag:s22] =	ssyncadd.s32 s4;
	_ =	sdelay $0x1  }
0xa1: {  	s23 =	simm.s32 $0x1B8B  }
0xa2: {  	_ =	swait.ge [sflag:s23], $0x1  }
0xa3: {  	[sflag:s23] =	ssyncset.done $0x0  }
0xa4: {  	s25 =	simm.s32 $0x1B8E;
	s24 =	sld [smem:$0x3FFE];
	[sflag:s23] =	ssyncadd.s32 $0xFFFFFFFF  }
0xa5: {  	s26 =	simm.s32 $execute0_lowered;
	[smem:$0x3FD2] =	sst s25  }
0xa6: {  	s5 =	sshll.u32 s26, $0x1;
	_ =	strace $0x80000049;
	[dreg:$0x1] =	wrdreg $0xFFFFFFFF  }
0xa7: {  	s28 =	simm.s32 $_size_execute0_lowered;
	s3 =	sadd.s32 s3, s5;
	[dreg:$0x0] =	wrdreg $0x0  }
0xa8: {  	s5 =	sshll.u32 s28, $0x1;
	[dreg:$0x2] =	wrdreg s3  }
0xa9: {  	[dreg:$0x3] =	wrdreg s5  }
0xaa: {  	[dreg:$0x4] =	wrdreg $0xC0  }
0xab: {  	_ =	task [dreg:s7], $0x5FFFF  }
0xac: {  	[dreg:$0x1] =	wrdreg $0xFFFFFFFF  }
0xad: {  	[dreg:$0x0] =	wrdreg $0x60  }
0xae: {  	[dreg:$0x2] =	wrdreg s24  }
0xaf: {  	[dreg:$0x3] =	wrdreg s2  }
0xb0: {  	[dreg:$0x4] =	wrdreg $0x90000  }
0xb1: {  	[dreg:$0x5] =	wrdreg $0x9  }
0xb2: {  	_ =	task.clear_ibuf [dreg:s7], $0x6FFFF;
	_ =	strace $0x90000049  }
0xb3: {  	s29 =	simm.s32 $0x9;
	_ =	strace $0x8000004B  }
0xb4: {  	_ =	swait.ge [sflag:s29], $0x1  }
0xb5: {  	[sflag:s29] =	ssyncadd.s32 $0xFFFFFFFF  }
0xb6: {  	_ =	strace $0x9000004B  }
0xb7: {  	_ =	sfence  }
0xb8: {  	s30 =	sld [smem:$0x0];
	_ =	sdelay $0x2  }
0xb9: {  	s31 =	sshll.u32 s1, $0xD;
	s1 =	sshrl.u32 s1, $0x2  }
0xba: {  	s3 =	sand.u32 $0x4000, s31;
	s1 =	sadd.s32 s1, s30  }
0xbb: {  	s0 =	sor.u32 s3, s0;
	s1 =	sshll.u32 s1, $0x11  }
0xbc: {  	s0 =	sor.u32 s1, s0  }
0xbd: {  	s0 =	sadd.s32 $0x8F2B, s0  }
0xbe: {  	[sflag:s0] =	ssyncadd.remote.s32 $0x1  }
0xbf: {  	_ =	sfence.sel $0xFFFF  }
0xc0: {  	[dreg:$0x0] =	wrdreg $0xFFFFFFFF;
	(pc) =	sbr.abs _section_cstart, $3  }
0xc1: {  	[dreg:$0x1] =	wrdreg $0xFFFFFFFF  }
0xc2: {  	_ =	task.clear_ibuf [dreg:s7], $0x2FFFF;
	_ =	strace $0x9FFFFFFF  }
0xc3: {  	(tm) =	ssettm $0x7FFFFFFF  }
tec
execute0_lowered:
.L_overlay_start_1:
0x0: {  	(tag) =	ssettag $0x1  }
0x1: {  	s0 =	rddreg [dreg:$0x0]  }
0x2: {  	s2 =	rddreg [dreg:$0x1]  }
0x3: {  	s1 =	rddreg [dreg:$0x2];
	s3 =	srdreg.scid  }
0x4: {  	s13 =	stileid.u32;
	s20 =	simm.s32 $0x3;
	s21 =	simm.s32 $0x40  }
0x5: {  	s28 =	simm.s32 $0x0;
	s14 =	sand.u32 $0x1, s3;
	s3 =	simm.s32 $0x0  }
0x6: {  	s6 =	smul.u32 $0x14000, s13;
	s4 =	sadd.s32 $0x2A800, s0;
	s17 =	sadd.s32 $0x16200, s0  }
0x7: {  	s8 =	smul.u32 $0x50000, s13;
	s22 =	sadd.s32 $0x1800, s0;
	s24 =	sshll.u32 s13, $0x6  }
0x8: {  	s10 =	sshll.u32 s13, $0x4;
	s5 =	smul.u32 $0x140000, s14;
	[smem:$0x7FF] =	sst s3  }
0x9: {  	s7 =	ssub.s32 $0x2, s14;
	p0 =	seq.s32 s14, $0x0;
	s11 =	sor.u32 $0x1300, s10  }
0xa: {  	s12 =	sor.u32 $0x1308, s10;
	_ =	strace $0x8000004A;
	[dreg:$0x4] =	wrdreg s22  }
0xb: {  	s9 =	sshrl.u32 s7, $0x1;
	s23 =	sshrl.u32 s8, $0x2;
	s8 =	sor.u32 $0x1C03, s24  }
0xc: {  	s22 =	simm.s32 $0x5000;
	s24 =	simm.s32 $0x7000;
	s6 =	sadd.s32 s6, s5  }
0xd: {  	s19 =	ssub.s32 s7, s9;
	s7 =	simm.s32 $0x50;
	s9 =	smul.u32 $0x130, s13  }
0xe: {  	s13 =	smul.u32 $0x9800, s13;
	s6 =	sshrl.u32 s6, $0x3;
	s7 =	simm.s32 @!p0 $0x8  }
0xf: {  	s19 =	smax.u32 s19, $0x1;
	s0 =	sadd.s32 s6, s0;
	s6 =	sadd.s32 s23, s1  }
0x10: {  	s11 =	smov.u32 @p0 s9;
	s9 =	sadd.s32 $0x50, s9;
	s16 =	sshrl.u32 s13, $0x3  }
0x11: {  	s23 =	simm.s32 $0x1;
	s25 =	sshll.u32 s11, $0x4;
	s12 =	smov.u32 @p0 s9  }
0x12: {  	s11 =	sshrl.u32 s7, $0x1;
	s26 =	sadd.s32 $0xA00, s16;
	s18 =	sadd.s32 $0xF00, s16  }
0x13: {  	p0 =	sne.s32 s14, $0x0;
	s9 =	sadd.s32 s2, s25;
	s10 =	sadd.s32 s17, s25  }
.Ltmp0:
0x14: {  	s15 =	sshll.u32 s12, $0x4;
	s29 =	sadd.s32 s2, s26;
	(pc) =	sbr.rel .LBB2_1-.Ltmp0, $4  }
0x15: {  	s30 =	sadd.s32 s17, s26;
	s31 =	sadd.s32 s17, s18;
	[dreg:$0x5] =	wrdreg s29  }
0x16: {  	s25 =	simm.s32 $0x2;
	s26 =	simm.s32 $0x2800;
	[dreg:$0x6] =	wrdreg s30  }
0x17: {  	s12 =	sadd.s32 s2, s15;
	s2 =	sadd.s32 s2, s18;
	[dreg:$0x8] =	wrdreg s31  }
0x18: {  	s13 =	sadd.s32 s17, s15;
	s18 =	sadd.s32 $0x52800, s0;
	[dreg:$0x7] =	wrdreg s2  }
.LBB2_11:
0x19: {  	s28 =	sadd.s32 $0x1, s28  }
0x1a: {  	p1 =	sne.s32 s28, s19  }
.Ltmp1:
0x1b: {  	[bflag:$0x0] =	sbarrier.arrive $0xFFFF;
	(pc) =	sbr.rel @!p1 .LBB2_12-.Ltmp1, $4  }
0x1c: {  	[hbm:s18], [sflag:s8] =	dma.local [spmem:s29], $0x2800  }
0x1d: {  	_ =	swait.ge [sflag:s20], $0x2800  }
0x1e: {  	[sflag:s20] =	ssyncset.done $0x0  }
0x1f: {  	[sflag:s20] =	ssyncadd.s32 $0xFFFFD800  }
.LBB2_1:
0x20: {  	s29 =	sshrl.u32 s6, $0x3;
	s0 =	rddreg [dreg:$0x4]  }
0x21: {  	[spmem:s29], [sflag:s8] =	dma.local [hbm:s0], $0x2800  }
0x22: {  	_ =	swait.ge [sflag:s20], $0x2800  }
0x23: {  	[sflag:s20] =	ssyncset.done $0x0  }
0x24: {  	[sflag:s20] =	ssyncadd.s32 $0xFFFFD800  }
0x25: {  	[bflag:$0x0] =	sbarrier.arrive $0xFFFF  }
0x26: {  	[tilespmem:s3], [sflag:$0x3] =	stream.linear.gather [hbm4b:s9+s3], $0x2800, $0x38;
	[tilespmem:$0x1D000] =	vst v63  }
0x27: {  	_ =	swait.ge [sflag:s20], $0x2800  }
0x28: {  	[sflag:s20] =	ssyncset.done $0x0  }
0x29: {  	[sflag:s20] =	ssyncadd.s32 $0xFFFFD800  }
0x2a: {  	[tilespmem:s26], [sflag:$0x3] =	stream.linear.gather [hbm4b:s10+s3], $0x2800, $0x38;
	[tilespmem:$0x1D000] =	vst v63  }
0x2b: {  	_ =	swait.ge [sflag:s20], $0x2800  }
0x2c: {  	[sflag:s20] =	ssyncset.done $0x0  }
0x2d: {  	[sflag:s20] =	ssyncadd.s32 $0xFFFFD800  }
0x2e: {  	[tilespmem:s22], [sflag:$0x1] =	stream.indirect.gather [hbm4b:s4+s21], $0x80, s3, s21, $0xb8;
	[tilespmem:$0x1D000] =	vst v63  }
0x2f: {  	_ =	swait.ge [sflag:s23], $0x2000  }
0x30: {  	[sflag:s23] =	ssyncset.done $0x0  }
0x31: {  	s30 =	simm.s32 $0x80;
	[sflag:s23] =	ssyncadd.s32 $0xFFFFE000  }
0x32: {  	[tilespmem:s24], [sflag:$0x2] =	stream.indirect.gather [hbm4b:s4+s21], $0x80, s30, s21, $0xb8;
	[tilespmem:$0x1D000] =	vst v63  }
0x33: {  	_ = 	snop  }
0x34: {  	[spmem:s1] =	stream.indirect.scatter.add.f32 [tilespmem:s22], [sflag:$0x3], $0x80, s26, s21, $0xb8;
	[tilespmem:$0x1D000] =	vst v63  }
0x35: {  	_ =	swait.ge [sflag:s20], $0x2000  }
0x36: {  	[sflag:s20] =	ssyncset.done $0x0  }
0x37: {  	[sflag:s20] =	ssyncadd.s32 $0xFFFFE000  }
0x38: {  	p1 =	sle.u32 s7, $0x2;
	_ =	swait.ge [sflag:s25], $0x2000  }
0x39: {  	s31 =	sadd.s32 $0xFFFFFFFF, s11;
	s0 =	simm.s32 @!p1 $0x100;
	[sflag:s25] =	ssyncset.done $0x0  }
0x3a: {  	s2 =	simm.s32 @!p1 $0x40;
	s14 =	simm.s32 @!p1 $0x5000;
	[sflag:s25] =	ssyncadd.s32 $0xFFFFE000  }
0x3b: {  	[tilespmem:s14], [sflag:$0x1] =	stream.indirect.gather @!p1 [hbm4b:s4+s2], $0x80, s0, s2, $0xb8;
	[tilespmem:$0x1D000] =	vst v63  }
0x3c: {  	p1 =	sne.s32 s31, $0x0  }
.Ltmp2:
0x3d: {  	_ = 	snop;
	(pc) =	sbr.rel @!p1 .LBB2_3-.Ltmp2, $4  }
0x3e: {  	_ = 	snop  }
0x3f: {  	s17 =	simm.s32 $0x2880;
	s0 =	simm.s32 $0x180  }
0x40: {  	[spmem:s1] =	stream.indirect.scatter.add.f32 [tilespmem:s24], [sflag:$0x3], $0x80, s17, s21, $0xb8;
	[tilespmem:$0x1D000] =	vst v63  }
0x41: {  	s2 =	simm.s32 $0x4;
	s14 =	simm.s32 $0x2800;
	_ =	swait.ge [sflag:s20], $0x2000  }
.LBB2_2:
0x42: {  	s31 =	sadd.s32 $0xFFFFFFFF, s31;
	[sflag:s20] =	ssyncset.done $0x0;
	s14 =	sadd.s32 $0x100, s14  }
0x43: {  	p1 =	sne.s32 s31, $0x0;
	[sflag:s20] =	ssyncadd.s32 $0xFFFFE000  }
0x44: {  	_ =	swait.ge [sflag:s23], $0x2000  }
0x45: {  	[sflag:s23] =	ssyncset.done $0x0  }
0x46: {  	[sflag:s23] =	ssyncadd.s32 $0xFFFFE000  }
0x47: {  	[tilespmem:s24], [sflag:$0x2] =	stream.indirect.gather [hbm4b:s4+s21], $0x80, s0, s21, $0xb8;
	[tilespmem:$0x1D000] =	vst v63  }
0x48: {  	_ = 	snop  }
0x49: {  	[spmem:s1] =	stream.indirect.scatter.add.f32 [tilespmem:s22], [sflag:$0x3], $0x80, s14, s21, $0xb8;
	[tilespmem:$0x1D000] =	vst v63  }
0x4a: {  	_ =	swait.ge [sflag:s20], $0x2000  }
0x4b: {  	[sflag:s20] =	ssyncset.done $0x0  }
0x4c: {  	[sflag:s20] =	ssyncadd.s32 $0xFFFFE000  }
0x4d: {  	_ =	swait.ge [sflag:s25], $0x2000  }
0x4e: {  	p2 =	sge.u32 s2, s7;
	[sflag:s25] =	ssyncset.done $0x0  }
0x4f: {  	s15 =	sadd.s32 @!p2 $0x80, s0;
	s16 =	simm.s32 @!p2 $0x40;
	[sflag:s25] =	ssyncadd.s32 $0xFFFFE000  }
.Ltmp3:
0x50: {  	s17 =	simm.s32 @!p2 $0x5000;
	s5 =	sadd.s32 $0x80, s14;
	(pc) =	sbr.rel @p1 .LBB2_2-.Ltmp3, $4  }
0x51: {  	[tilespmem:s17], [sflag:$0x1] =	stream.indirect.gather @!p2 [hbm4b:s4+s16], $0x80, s15, s16, $0xb8;
	[tilespmem:$0x1D000] =	vst v63  }
0x52: {  	_ = 	snop  }
0x53: {  	[spmem:s1] =	stream.indirect.scatter.add.f32 [tilespmem:s24], [sflag:$0x3], $0x80, s5, s21, $0xb8;
	[tilespmem:$0x1D000] =	vst v63  }
0x54: {  	s2 =	sadd.s32 $0x2, s2;
	s0 =	sadd.s32 $0x100, s0;
	_ =	swait.ge [sflag:s20], $0x2000  }
.LBB2_3:
0x55: {  	[sflag:s20] =	ssyncset.done $0x0  }
0x56: {  	[sflag:s20] =	ssyncadd.s32 $0xFFFFE000  }
0x57: {  	[tilespmem:s3], [sflag:$0x3] =	stream.linear.gather [hbm4b:s12+s3], $0x2800, $0x38;
	[tilespmem:$0x1D000] =	vst v63  }
0x58: {  	_ =	swait.ge [sflag:s20], $0x2800  }
0x59: {  	[sflag:s20] =	ssyncset.done $0x0  }
0x5a: {  	s31 =	simm.s32 $0x2800;
	[sflag:s20] =	ssyncadd.s32 $0xFFFFD800  }
0x5b: {  	[tilespmem:s31], [sflag:$0x3] =	stream.linear.gather [hbm4b:s13+s3], $0x2800, $0x38;
	[tilespmem:$0x1D000] =	vst v63  }
0x5c: {  	_ =	swait.ge [sflag:s20], $0x2800  }
0x5d: {  	[sflag:s20] =	ssyncset.done $0x0  }
0x5e: {  	[sflag:s20] =	ssyncadd.s32 $0xFFFFD800  }
0x5f: {  	[tilespmem:s22], [sflag:$0x1] =	stream.indirect.gather [hbm4b:s4+s21], $0x80, s3, s21, $0xb8;
	[tilespmem:$0x1D000] =	vst v63  }
0x60: {  	_ =	swait.ge [sflag:s23], $0x2000  }
0x61: {  	[sflag:s23] =	ssyncset.done $0x0  }
0x62: {  	[sflag:s23] =	ssyncadd.s32 $0xFFFFE000  }
0x63: {  	[tilespmem:s24], [sflag:$0x2] =	stream.indirect.gather [hbm4b:s4+s21], $0x80, s30, s21, $0xb8;
	[tilespmem:$0x1D000] =	vst v63  }
0x64: {  	_ = 	snop  }
0x65: {  	[spmem:s1] =	stream.indirect.scatter.add.f32 [tilespmem:s22], [sflag:$0x3], $0x80, s31, s21, $0xb8;
	[tilespmem:$0x1D000] =	vst v63  }
0x66: {  	_ =	swait.ge [sflag:s20], $0x2000  }
0x67: {  	[sflag:s20] =	ssyncset.done $0x0  }
0x68: {  	[sflag:s20] =	ssyncadd.s32 $0xFFFFE000  }
0x69: {  	p1 =	sle.u32 s7, $0x2;
	_ =	swait.ge [sflag:s25], $0x2000  }
0x6a: {  	s0 =	simm.s32 @!p1 $0x100;
	s2 =	simm.s32 @!p1 $0x40;
	[sflag:s25] =	ssyncset.done $0x0  }
0x6b: {  	s5 =	simm.s32 @!p1 $0x5000;
	s30 =	sadd.s32 $0xFFFFFFFF, s11;
	[sflag:s25] =	ssyncadd.s32 $0xFFFFE000  }
0x6c: {  	[tilespmem:s5], [sflag:$0x1] =	stream.indirect.gather @!p1 [hbm4b:s4+s2], $0x80, s0, s2, $0xb8;
	[tilespmem:$0x1D000] =	vst v63  }
0x6d: {  	p1 =	sne.s32 s30, $0x0  }
.Ltmp4:
0x6e: {  	_ = 	snop;
	(pc) =	sbr.rel @!p1 .LBB2_5-.Ltmp4, $4  }
0x6f: {  	_ = 	snop  }
0x70: {  	s17 =	simm.s32 $0x2880  }
0x71: {  	[spmem:s1] =	stream.indirect.scatter.add.f32 [tilespmem:s24], [sflag:$0x3], $0x80, s17, s21, $0xb8;
	[tilespmem:$0x1D000] =	vst v63  }
0x72: {  	s0 =	simm.s32 $0x180;
	s2 =	simm.s32 $0x4;
	_ =	swait.ge [sflag:s20], $0x2000  }
.LBB2_4:
0x73: {  	s30 =	sadd.s32 $0xFFFFFFFF, s30;
	[sflag:s20] =	ssyncset.done $0x0;
	s31 =	sadd.s32 $0x100, s31  }
0x74: {  	p1 =	sne.s32 s30, $0x0;
	[sflag:s20] =	ssyncadd.s32 $0xFFFFE000  }
0x75: {  	_ =	swait.ge [sflag:s23], $0x2000  }
0x76: {  	[sflag:s23] =	ssyncset.done $0x0  }
0x77: {  	[sflag:s23] =	ssyncadd.s32 $0xFFFFE000  }
0x78: {  	[tilespmem:s24], [sflag:$0x2] =	stream.indirect.gather [hbm4b:s4+s21], $0x80, s0, s21, $0xb8;
	[tilespmem:$0x1D000] =	vst v63  }
0x79: {  	_ = 	snop  }
0x7a: {  	[spmem:s1] =	stream.indirect.scatter.add.f32 [tilespmem:s22], [sflag:$0x3], $0x80, s31, s21, $0xb8;
	[tilespmem:$0x1D000] =	vst v63  }
0x7b: {  	_ =	swait.ge [sflag:s20], $0x2000  }
0x7c: {  	[sflag:s20] =	ssyncset.done $0x0  }
0x7d: {  	[sflag:s20] =	ssyncadd.s32 $0xFFFFE000  }
0x7e: {  	_ =	swait.ge [sflag:s25], $0x2000  }
0x7f: {  	p2 =	sge.u32 s2, s7;
	[sflag:s25] =	ssyncset.done $0x0  }
0x80: {  	s5 =	sadd.s32 @!p2 $0x80, s0;
	s14 =	simm.s32 @!p2 $0x40;
	[sflag:s25] =	ssyncadd.s32 $0xFFFFE000  }
.Ltmp5:
0x81: {  	s15 =	simm.s32 @!p2 $0x5000;
	s16 =	sadd.s32 $0x80, s31;
	(pc) =	sbr.rel @p1 .LBB2_4-.Ltmp5, $4  }
0x82: {  	[tilespmem:s15], [sflag:$0x1] =	stream.indirect.gather @!p2 [hbm4b:s4+s14], $0x80, s5, s14, $0xb8;
	[tilespmem:$0x1D000] =	vst v63  }
0x83: {  	_ = 	snop  }
0x84: {  	[spmem:s1] =	stream.indirect.scatter.add.f32 [tilespmem:s24], [sflag:$0x3], $0x80, s16, s21, $0xb8;
	[tilespmem:$0x1D000] =	vst v63  }
0x85: {  	s2 =	sadd.s32 $0x2, s2;
	s0 =	sadd.s32 $0x100, s0;
	_ =	swait.ge [sflag:s20], $0x2000  }
.LBB2_5:
.Ltmp6:
0x86: {  	(pc) =	sbr.rel @p0 .LBB2_11-.Ltmp6, $3  }
0x87: {  	_ =	sdelay $0x1  }
0x88: {  	[sflag:s20] =	ssyncset.done $0x0  }
0x89: {  	[sflag:s20] =	ssyncadd.s32 $0xFFFFE000  }
0x8a: {  	s0 =	simm.s32 $0x0;
	s2 =	rddreg [dreg:$0x5]  }
0x8b: {  	[tilespmem:s0], [sflag:$0x3] =	stream.linear.gather [hbm4b:s2+s0], $0x2800, $0x38;
	[tilespmem:$0x1D000] =	vst v63  }
0x8c: {  	_ =	swait.ge [sflag:s20], $0x2800  }
0x8d: {  	[sflag:s20] =	ssyncset.done $0x0  }
0x8e: {  	s15 =	rddreg [dreg:$0x6];
	[sflag:s20] =	ssyncadd.s32 $0xFFFFD800  }
0x8f: {  	[tilespmem:s26], [sflag:$0x3] =	stream.linear.gather [hbm4b:s15+s0], $0x2800, $0x38;
	[tilespmem:$0x1D000] =	vst v63  }
0x90: {  	_ =	swait.ge [sflag:s20], $0x2800  }
0x91: {  	[sflag:s20] =	ssyncset.done $0x0  }
0x92: {  	[sflag:s20] =	ssyncadd.s32 $0xFFFFD800  }
0x93: {  	[tilespmem:s22], [sflag:$0x1] =	stream.indirect.gather [hbm4b:s4+s21], $0x80, s0, s21, $0xb8;
	[tilespmem:$0x1D000] =	vst v63  }
0x94: {  	_ =	swait.ge [sflag:s23], $0x2000  }
0x95: {  	[sflag:s23] =	ssyncset.done $0x0  }
0x96: {  	s16 =	simm.s32 $0x80;
	[sflag:s23] =	ssyncadd.s32 $0xFFFFE000  }
0x97: {  	[tilespmem:s24], [sflag:$0x2] =	stream.indirect.gather [hbm4b:s4+s21], $0x80, s16, s21, $0xb8;
	[tilespmem:$0x1D000] =	vst v63  }
0x98: {  	s17 =	simm.s32 $0x2800  }
0x99: {  	[spmem:s1] =	stream.indirect.scatter.add.f32 [tilespmem:s22], [sflag:$0x3], $0x80, s17, s21, $0xb8;
	[tilespmem:$0x1D000] =	vst v63  }
0x9a: {  	_ =	swait.ge [sflag:s20], $0x2000  }
0x9b: {  	[sflag:s20] =	ssyncset.done $0x0  }
0x9c: {  	[sflag:s20] =	ssyncadd.s32 $0xFFFFE000  }
0x9d: {  	_ =	swait.ge [sflag:s25], $0x2000  }
0x9e: {  	[sflag:s25] =	ssyncset.done $0x0  }
0x9f: {  	s30 =	simm.s32 $0x100;
	[sflag:s25] =	ssyncadd.s32 $0xFFFFE000  }
0xa0: {  	[tilespmem:s22], [sflag:$0x1] =	stream.indirect.gather [hbm4b:s4+s21], $0x80, s30, s21, $0xb8;
	[tilespmem:$0x1D000] =	vst v63  }
0xa1: {  	s31 =	simm.s32 $0x2880  }
0xa2: {  	[spmem:s1] =	stream.indirect.scatter.add.f32 [tilespmem:s24], [sflag:$0x3], $0x80, s31, s21, $0xb8;
	[tilespmem:$0x1D000] =	vst v63  }
0xa3: {  	_ =	swait.ge [sflag:s20], $0x2000  }
0xa4: {  	s0 =	simm.s32 $0x400;
	[sflag:s20] =	ssyncset.done $0x0  }
.LBB2_7:
0xa5: {  	p1 =	sne.s32 s0, $0x9800  }
0xa6: {  	[sflag:s20] =	ssyncadd.s32 $0xFFFFE000;
	s2 =	smov.u32 s0;
	s0 =	sadd.s32 $0x400, s0  }
0xa7: {  	_ = 	snop  }
0xa8: {  	_ =	swait.ge [sflag:s23], $0x2000  }
0xa9: {  	s2 =	sshra.s32 s2, $0x2;
	[sflag:s23] =	ssyncset.done $0x0  }
0xaa: {  	s5 =	sadd.s32 $0x80, s2;
	[sflag:s23] =	ssyncadd.s32 $0xFFFFE000  }
0xab: {  	[tilespmem:s24], [sflag:$0x2] =	stream.indirect.gather [hbm4b:s4+s21], $0x80, s5, s21, $0xb8;
	[tilespmem:$0x1D000] =	vst v63  }
0xac: {  	s5 =	sadd.s32 $0x2800, s2  }
0xad: {  	[spmem:s1] =	stream.indirect.scatter.add.f32 [tilespmem:s22], [sflag:$0x3], $0x80, s5, s21, $0xb8;
	[tilespmem:$0x1D000] =	vst v63  }
0xae: {  	_ =	swait.ge [sflag:s20], $0x2000  }
0xaf: {  	[sflag:s20] =	ssyncset.done $0x0  }
0xb0: {  	[sflag:s20] =	ssyncadd.s32 $0xFFFFE000  }
0xb1: {  	_ =	swait.ge [sflag:s25], $0x2000  }
0xb2: {  	[sflag:s25] =	ssyncset.done $0x0  }
0xb3: {  	s5 =	sadd.s32 $0x100, s2;
	[sflag:s25] =	ssyncadd.s32 $0xFFFFE000  }
0xb4: {  	[tilespmem:s22], [sflag:$0x1] =	stream.indirect.gather [hbm4b:s4+s21], $0x80, s5, s21, $0xb8;
	[tilespmem:$0x1D000] =	vst v63  }
.Ltmp7:
0xb5: {  	_ = 	snop;
	(pc) =	sbr.rel @p1 .LBB2_7-.Ltmp7, $4  }
0xb6: {  	s2 =	sadd.s32 $0x2880, s2  }
0xb7: {  	[spmem:s1] =	stream.indirect.scatter.add.f32 [tilespmem:s24], [sflag:$0x3], $0x80, s2, s21, $0xb8;
	[tilespmem:$0x1D000] =	vst v63  }
0xb8: {  	_ =	swait.ge [sflag:s20], $0x2000  }
0xb9: {  	[sflag:s20] =	ssyncset.done $0x0  }
0xba: {  	[sflag:s20] =	ssyncadd.s32 $0xFFFFE000  }
0xbb: {  	_ =	swait.ge [sflag:s23], $0x2000  }
0xbc: {  	[sflag:s23] =	ssyncset.done $0x0  }
0xbd: {  	s0 =	simm.s32 $0x2780;
	[sflag:s23] =	ssyncadd.s32 $0xFFFFE000  }
0xbe: {  	[tilespmem:s24], [sflag:$0x2] =	stream.indirect.gather [hbm4b:s4+s21], $0x80, s0, s21, $0xb8;
	[tilespmem:$0x1D000] =	vst v63  }
0xbf: {  	s2 =	simm.s32 $0x4F00  }
0xc0: {  	[spmem:s1] =	stream.indirect.scatter.add.f32 [tilespmem:s22], [sflag:$0x3], $0x80, s2, s21, $0xb8;
	[tilespmem:$0x1D000] =	vst v63  }
0xc1: {  	_ =	swait.ge [sflag:s20], $0x2000  }
0xc2: {  	[sflag:s20] =	ssyncset.done $0x0  }
0xc3: {  	[sflag:s20] =	ssyncadd.s32 $0xFFFFE000  }
0xc4: {  	_ =	swait.ge [sflag:s25], $0x2000  }
0xc5: {  	[sflag:s25] =	ssyncset.done $0x0  }
0xc6: {  	s5 =	simm.s32 $0x4F80;
	[sflag:s25] =	ssyncadd.s32 $0xFFFFE000  }
0xc7: {  	[spmem:s1] =	stream.indirect.scatter.add.f32 [tilespmem:s24], [sflag:$0x3], $0x80, s5, s21, $0xb8;
	[tilespmem:$0x1D000] =	vst v63  }
0xc8: {  	_ =	swait.ge [sflag:s20], $0x2000  }
0xc9: {  	[sflag:s20] =	ssyncset.done $0x0  }
0xca: {  	s14 =	simm.s32 $0x0;
	s2 =	rddreg [dreg:$0x7];
	[sflag:s20] =	ssyncadd.s32 $0xFFFFE000  }
0xcb: {  	[tilespmem:s14], [sflag:$0x3] =	stream.linear.gather [hbm4b:s2+s14], $0x2800, $0x38;
	[tilespmem:$0x1D000] =	vst v63  }
0xcc: {  	_ =	swait.ge [sflag:s20], $0x2800  }
0xcd: {  	[sflag:s20] =	ssyncset.done $0x0  }
0xce: {  	s15 =	rddreg [dreg:$0x8];
	[sflag:s20] =	ssyncadd.s32 $0xFFFFD800  }
0xcf: {  	[tilespmem:s26], [sflag:$0x3] =	stream.linear.gather [hbm4b:s15+s14], $0x2800, $0x38;
	[tilespmem:$0x1D000] =	vst v63  }
0xd0: {  	_ =	swait.ge [sflag:s20], $0x2800  }
0xd1: {  	[sflag:s20] =	ssyncset.done $0x0  }
0xd2: {  	[sflag:s20] =	ssyncadd.s32 $0xFFFFD800  }
0xd3: {  	[tilespmem:s22], [sflag:$0x1] =	stream.indirect.gather [hbm4b:s4+s21], $0x80, s14, s21, $0xb8;
	[tilespmem:$0x1D000] =	vst v63  }
0xd4: {  	_ =	swait.ge [sflag:s23], $0x2000  }
0xd5: {  	[sflag:s23] =	ssyncset.done $0x0  }
0xd6: {  	s16 =	simm.s32 $0x80;
	[sflag:s23] =	ssyncadd.s32 $0xFFFFE000  }
0xd7: {  	[tilespmem:s24], [sflag:$0x2] =	stream.indirect.gather [hbm4b:s4+s21], $0x80, s16, s21, $0xb8;
	[tilespmem:$0x1D000] =	vst v63  }
0xd8: {  	s17 =	simm.s32 $0x2800  }
0xd9: {  	[spmem:s1] =	stream.indirect.scatter.add.f32 [tilespmem:s22], [sflag:$0x3], $0x80, s17, s21, $0xb8;
	[tilespmem:$0x1D000] =	vst v63  }
0xda: {  	_ =	swait.ge [sflag:s20], $0x2000  }
0xdb: {  	[sflag:s20] =	ssyncset.done $0x0  }
0xdc: {  	[sflag:s20] =	ssyncadd.s32 $0xFFFFE000  }
0xdd: {  	_ =	swait.ge [sflag:s25], $0x2000  }
0xde: {  	[sflag:s25] =	ssyncset.done $0x0  }
0xdf: {  	s30 =	simm.s32 $0x100;
	[sflag:s25] =	ssyncadd.s32 $0xFFFFE000  }
0xe0: {  	[tilespmem:s22], [sflag:$0x1] =	stream.indirect.gather [hbm4b:s4+s21], $0x80, s30, s21, $0xb8;
	[tilespmem:$0x1D000] =	vst v63  }
0xe1: {  	s31 =	simm.s32 $0x2880  }
0xe2: {  	[spmem:s1] =	stream.indirect.scatter.add.f32 [tilespmem:s24], [sflag:$0x3], $0x80, s31, s21, $0xb8;
	[tilespmem:$0x1D000] =	vst v63  }
0xe3: {  	_ =	swait.ge [sflag:s20], $0x2000  }
0xe4: {  	s0 =	simm.s32 $0x400;
	[sflag:s20] =	ssyncset.done $0x0  }
.LBB2_9:
0xe5: {  	p1 =	sne.s32 s0, $0x7800  }
0xe6: {  	[sflag:s20] =	ssyncadd.s32 $0xFFFFE000;
	s2 =	smov.u32 s0;
	s0 =	sadd.s32 $0x400, s0  }
0xe7: {  	_ = 	snop  }
0xe8: {  	_ =	swait.ge [sflag:s23], $0x2000  }
0xe9: {  	s2 =	sshra.s32 s2, $0x2;
	[sflag:s23] =	ssyncset.done $0x0  }
0xea: {  	s5 =	sadd.s32 $0x80, s2;
	[sflag:s23] =	ssyncadd.s32 $0xFFFFE000  }
0xeb: {  	[tilespmem:s24], [sflag:$0x2] =	stream.indirect.gather [hbm4b:s4+s21], $0x80, s5, s21, $0xb8;
	[tilespmem:$0x1D000] =	vst v63  }
0xec: {  	s5 =	sadd.s32 $0x2800, s2  }
0xed: {  	[spmem:s1] =	stream.indirect.scatter.add.f32 [tilespmem:s22], [sflag:$0x3], $0x80, s5, s21, $0xb8;
	[tilespmem:$0x1D000] =	vst v63  }
0xee: {  	_ =	swait.ge [sflag:s20], $0x2000  }
0xef: {  	[sflag:s20] =	ssyncset.done $0x0  }
0xf0: {  	[sflag:s20] =	ssyncadd.s32 $0xFFFFE000  }
0xf1: {  	_ =	swait.ge [sflag:s25], $0x2000  }
0xf2: {  	[sflag:s25] =	ssyncset.done $0x0  }
0xf3: {  	s5 =	sadd.s32 $0x100, s2;
	[sflag:s25] =	ssyncadd.s32 $0xFFFFE000  }
0xf4: {  	[tilespmem:s22], [sflag:$0x1] =	stream.indirect.gather [hbm4b:s4+s21], $0x80, s5, s21, $0xb8;
	[tilespmem:$0x1D000] =	vst v63  }
.Ltmp8:
0xf5: {  	_ = 	snop;
	(pc) =	sbr.rel @p1 .LBB2_9-.Ltmp8, $4  }
0xf6: {  	s2 =	sadd.s32 $0x2880, s2  }
0xf7: {  	[spmem:s1] =	stream.indirect.scatter.add.f32 [tilespmem:s24], [sflag:$0x3], $0x80, s2, s21, $0xb8;
	[tilespmem:$0x1D000] =	vst v63  }
0xf8: {  	_ =	swait.ge [sflag:s20], $0x2000  }
0xf9: {  	[sflag:s20] =	ssyncset.done $0x0  }
0xfa: {  	[sflag:s20] =	ssyncadd.s32 $0xFFFFE000  }
0xfb: {  	_ =	swait.ge [sflag:s23], $0x2000  }
0xfc: {  	[sflag:s23] =	ssyncset.done $0x0  }
0xfd: {  	s0 =	simm.s32 $0x1F80;
	[sflag:s23] =	ssyncadd.s32 $0xFFFFE000  }
0xfe: {  	[tilespmem:s24], [sflag:$0x2] =	stream.indirect.gather [hbm4b:s4+s21], $0x80, s0, s21, $0xb8;
	[tilespmem:$0x1D000] =	vst v63  }
0xff: {  	s30 =	simm.s32 $0x4700  }
0x100: {  	[spmem:s1] =	stream.indirect.scatter.add.f32 [tilespmem:s22], [sflag:$0x3], $0x80, s30, s21, $0xb8;
	[tilespmem:$0x1D000] =	vst v63  }
0x101: {  	_ =	swait.ge [sflag:s20], $0x2000  }
0x102: {  	[sflag:s20] =	ssyncset.done $0x0  }
0x103: {  	[sflag:s20] =	ssyncadd.s32 $0xFFFFE000  }
0x104: {  	_ =	swait.ge [sflag:s25], $0x2000  }
0x105: {  	[sflag:s25] =	ssyncset.done $0x0  }
.Ltmp9:
0x106: {  	s31 =	simm.s32 $0x4780;
	[sflag:s25] =	ssyncadd.s32 $0xFFFFE000;
	(pc) =	sbr.rel .LBB2_11-.Ltmp9, $4  }
0x107: {  	[spmem:s1] =	stream.indirect.scatter.add.f32 [tilespmem:s24], [sflag:$0x3], $0x80, s31, s21, $0xb8;
	[tilespmem:$0x1D000] =	vst v63  }
0x108: {  	_ =	swait.ge [sflag:s20], $0x2000  }
0x109: {  	[sflag:s20] =	ssyncset.done $0x0  }
0x10a: {  	[sflag:s20] =	ssyncadd.s32 $0xFFFFE000  }
.LBB2_12:
0x10b: {  	_ =	sfence.sel $0x180000  }
0x10c: {  	[bflag:$0x0] =	sbarrier.arrive $0xFFFF  }
0x10d: {  	_ =	strace $0x9000004A  }
0x10e: {  	s0 =	stileid.u32;
	[bflag:$0x2] =	sbarrier.arrive $0xFFFF  }
0x10f: {  	p0 =	sne.s32 s0, $0x0;
	s0 =	rddreg [dreg:$0x3]  }
0x110: {  	s0 =	sadd.s32 @!p0 $0x100000, s0  }
0x111: {  	[sflag:s0] =	ssyncadd.tile.s32 @!p0 $0x1;
	_ =	shalt  }
.Lfunc_end2:
_tile_overlayer_lowered:
.L_overlay_start_2:
0x112: {  	(tag) =	ssettag $0x2  }
0x113: {  	s0 =	rddreg [dreg:$0x0];
	s2 =	stileid.u32  }
0x114: {  	s1 =	rddreg [dreg:$0x1];
	p0 =	sne.s32 s2, $0x0  }
0x115: {  	s3 =	rddreg [dreg:$0x2];
	[bflag:$0x3] =	sbarrier.arrive $0xFFFF;
	s2 =	simm.s32 @!p0 $0x1C03  }
0x116: {  	[timem:s3], [sflag:s2] =	dma.local @!p0 [hbm:s0], s1  }
0x117: {  	s0 =	simm.s32 @!p0 $0x3  }
0x118: {  	_ =	swait.ge @!p0 [sflag:s0], s1  }
0x119: {  	s1 =	ssub.s32 @!p0 $0x0, s1;
	[sflag:s0] =	ssyncset.done @!p0 $0x0  }
0x11a: {  	[sflag:s0] =	ssyncadd.s32 @!p0 s1  }
0x11b: {  	[bflag:$0x3] =	sbarrier.arrive $0xFFFF  }
0x11c: {  	_ =	shalt  }

</sc_bundles>
